<compile_context>
chip_gen: v7x
topology: tpu7x:2x2x1
jax: 0.10.2.dev20260603
libtpu: 0.0.44.dev20260713+nightly
codegen_flags: <defaults>
</compile_context>

<pallas_src>
import functools

import jax
import jax.numpy as jnp
from jax import lax
from jax.experimental import pallas as pl
from jax.experimental.pallas import tpu as pltpu
from jax.experimental.pallas import tpu_sc as plsc

_B, _W, _T, _H = 32, 50, 200, 128
_NC, _NS, _L = 2, 16, 16
_NW = _NC * _NS


def _sc_body(
    x_hbm, word_hbm, temp_hbm, out_hbm,
    wordbuf, tempbuf, xb0, xb1, xb2, is0, is1, is2, os0, os1, os2,
):
    cid = lax.axis_index("c")
    sid = lax.axis_index("s")
    wid = sid * _NC + cid
    base = wid * _W

    pltpu.sync_copy(word_hbm, wordbuf)
    pltpu.sync_copy(temp_hbm, tempbuf)

    bufs = ((xb0, is0, os0), (xb1, is1, os1), (xb2, is2, os2))

    def start_in(w, xb, ins):
        pltpu.async_copy(x_hbm.at[pl.ds((base + w) * _T, _T)], xb, ins)

    def wait_in(w, xb, ins):
        pltpu.make_async_copy(x_hbm.at[pl.ds((base + w) * _T, _T)], xb, ins).wait()

    def start_out(w, xb, outs):
        pltpu.async_copy(xb, out_hbm.at[pl.ds((base + w) * _T, _T)], outs)

    def wait_out(w, xb, outs):
        pltpu.make_async_copy(xb, out_hbm.at[pl.ds((base + w) * _T, _T)], outs).wait()

    def compute_row(w, xb):
        wv = tuple(wordbuf[w, pl.ds(j * _L, _L)] for j in range(_H // _L))

        @plsc.parallel_loop(0, _T, step=1, unroll=4)
        def _(t):
            for j in range(_H // _L):
                sl = pl.ds(j * _L, _L)
                plsc.addupdate(xb.at[t, sl], tempbuf[t, sl] + wv[j])

    start_in(0, xb0, is0)
    start_in(1, xb1, is1)

    def tri_body(i, carry):
        for p in range(3):
            xb, ins, outs = bufs[p]
            nb = bufs[(p + 2) % 3]
            w = i * 3 + p
            wait_in(w, xb, ins)
            compute_row(w, xb)
            start_out(w, xb, outs)

            @pl.when(w >= 1)
            def _():
                wait_out(w - 1, nb[0], nb[2])

            start_in(w + 2, nb[0], nb[1])
        return carry

    lax.fori_loop(0, 16, tri_body, 0)
    for w in (48, 49):
        xb, ins, outs = bufs[w % 3]
        wait_in(w, xb, ins)
        compute_row(w, xb)
        start_out(w, xb, outs)
    for w in (47, 48, 49):
        xb, _, outs = bufs[w % 3]
        wait_out(w, xb, outs)


def kernel(x, word_table, temp_table):
    batch, num_words, time_len, hidden = x.shape
    x2 = x.reshape(batch * num_words * time_len, hidden)
    temp_slice = temp_table[:time_len]

    mesh = plsc.VectorSubcoreMesh(core_axis_name="c", subcore_axis_name="s")
    run = functools.partial(
        pl.kernel,
        mesh=mesh,
        out_type=jax.ShapeDtypeStruct(x2.shape, x2.dtype),
        scratch_types=[
            pltpu.VMEM((num_words, hidden), jnp.float32),
            pltpu.VMEM((time_len, hidden), jnp.float32),
            pltpu.VMEM((time_len, hidden), jnp.float32),
            pltpu.VMEM((time_len, hidden), jnp.float32),
            pltpu.VMEM((time_len, hidden), jnp.float32),
            pltpu.SemaphoreType.DMA,
            pltpu.SemaphoreType.DMA,
            pltpu.SemaphoreType.DMA,
            pltpu.SemaphoreType.DMA,
            pltpu.SemaphoreType.DMA,
            pltpu.SemaphoreType.DMA,
        ],
    )(_sc_body)
    out = run(x2, word_table, temp_slice)
    return out.reshape(x.shape)

# --- scband reference (transcript-rebuilt; emitter-appended) ---
"""Pipeline reference for scband-eegpositional-embeddings-25795573579788 (READ-ONLY COPY).

The authoritative reference and input builder live on the scoring server;
editing this copy changes nothing except your own understanding.
"""

import jax, jax.numpy as jnp
import numpy as np


def setup_inputs(seed: int = 0) -> dict:
    key = jax.random.key(seed)
    k_x, k_w, k_t = jax.random.split(key, 3)
    batch, num_words, time_len, hidden = 32, 50, 200, 128
    max_words, max_time = 50, 500
    x = jax.random.normal(k_x, (batch, num_words, time_len, hidden), dtype=jnp.float32)
    word_table = jax.random.normal(k_w, (max_words, hidden), dtype=jnp.float32) * 0.02
    temp_table = jax.random.normal(k_t, (max_time, hidden), dtype=jnp.float32) * 0.02
    return {"x": x, "word_table": word_table, "temp_table": temp_table}


def reference(x, word_table, temp_table):
    # word-level branch of EEGPositionalEmbeddings.forward (word_level=True, x is 4D)
    batch_size, num_words, time_len, hidden_dim = x.shape
    word_pos = jnp.broadcast_to(jnp.arange(num_words)[None, :], (batch_size, num_words))
    time_pos = jnp.arange(time_len)
    word_emb = jnp.take(word_table, word_pos, axis=0)      # [B, W, H]
    temp_emb = jnp.take(temp_table, time_pos, axis=0)      # [T, H]
    word_emb = word_emb[:, :, None, :]                     # [B, W, 1, H]
    temp_emb = temp_emb[None, None, :, :]                  # [1, 1, T, H]
    return x + word_emb + temp_emb

if __name__ == "__main__":
    import jax
    _d = setup_inputs()
    print(jax.jit(kernel)(*tuple(_d.values())))

</pallas_src>

<mosaic_0001>
#map = affine_map<(d0, d1) -> (0, 0)>
module attributes {stable_mosaic.version = 14 : i64} {
  func.func @_sc_body(%arg0: i32, %arg1: i32, %arg2: memref<320000x128xf32, #tpu.memory_space<hbm>>, %arg3: memref<50x128xf32, #tpu.memory_space<hbm>>, %arg4: memref<200x128xf32, #tpu.memory_space<hbm>>, %arg5: memref<320000x128xf32, #tpu.memory_space<hbm>>, %arg6: memref<50x128xf32, #tpu.memory_space<vmem>>, %arg7: memref<200x128xf32, #tpu.memory_space<vmem>>, %arg8: memref<200x128xf32, #tpu.memory_space<vmem>>, %arg9: memref<200x128xf32, #tpu.memory_space<vmem>>, %arg10: memref<200x128xf32, #tpu.memory_space<vmem>>, %arg11: memref<!tpu.dma_semaphore, #tpu.memory_space<semaphore_mem>>, %arg12: memref<!tpu.dma_semaphore, #tpu.memory_space<semaphore_mem>>, %arg13: memref<!tpu.dma_semaphore, #tpu.memory_space<semaphore_mem>>, %arg14: memref<!tpu.dma_semaphore, #tpu.memory_space<semaphore_mem>>, %arg15: memref<!tpu.dma_semaphore, #tpu.memory_space<semaphore_mem>>, %arg16: memref<!tpu.dma_semaphore, #tpu.memory_space<semaphore_mem>>) attributes {dimension_semantics = [#tpu.dimension_semantics<core_parallel>, #tpu.dimension_semantics<subcore_parallel>], iteration_bounds = array<i64: 2, 16>, scalar_prefetch = 0 : i64, scratch_operands = 11 : i64, tpu.core_type = #tpu.core_type<sc_vector_subcore>, window_params = [{transform_indices = #map}, {transform_indices = #map}, {transform_indices = #map}, {transform_indices = #map}]} {
    %mul3A = arith.constant 2 : i32
    %mul3A_0 = arith.muli %arg1, %mul3A : i32
    %add3A = arith.addi %mul3A_0, %arg0 : i32
    %mul3A_1 = arith.constant 50 : i32
    %mul3A_2 = arith.muli %add3A, %mul3A_1 : i32
    "tpu.region"() ({
      %run_scoped3A = tpu.sem_alloc : memref<!tpu.dma_semaphore, #tpu.memory_space<semaphore_mem>>
      tpu.enqueue_dma source(%arg3 : memref<50x128xf32, #tpu.memory_space<hbm>>) target(%arg6 : memref<50x128xf32, #tpu.memory_space<vmem>>) target_semaphore(%run_scoped3A : memref<!tpu.dma_semaphore, #tpu.memory_space<semaphore_mem>>)
      tpu.wait_dma2 semaphore(%run_scoped3A : memref<!tpu.dma_semaphore, #tpu.memory_space<semaphore_mem>>) src(%arg3 : memref<50x128xf32, #tpu.memory_space<hbm>>) dst(%arg6 : memref<50x128xf32, #tpu.memory_space<vmem>>)
      tpu.yield
    }) : () -> ()
    "tpu.region"() ({
      %run_scoped3A = tpu.sem_alloc : memref<!tpu.dma_semaphore, #tpu.memory_space<semaphore_mem>>
      tpu.enqueue_dma source(%arg4 : memref<200x128xf32, #tpu.memory_space<hbm>>) target(%arg7 : memref<200x128xf32, #tpu.memory_space<vmem>>) target_semaphore(%run_scoped3A : memref<!tpu.dma_semaphore, #tpu.memory_space<semaphore_mem>>)
      tpu.wait_dma2 semaphore(%run_scoped3A : memref<!tpu.dma_semaphore, #tpu.memory_space<semaphore_mem>>) src(%arg4 : memref<200x128xf32, #tpu.memory_space<hbm>>) dst(%arg7 : memref<200x128xf32, #tpu.memory_space<vmem>>)
      tpu.yield
    }) : () -> ()
    %add3A_3 = arith.constant 0 : i32
    %add3A_4 = arith.addi %mul3A_2, %add3A_3 : i32
    %mul3A_5 = arith.constant 200 : i32
    %mul3A_6 = arith.muli %add3A_4, %mul3A_5 : i32
    %dma_start3A = arith.constant 0 : i32
    %dma_start3A_7 = tpu.memref_slice %arg2[%mul3A_6, %dma_start3A] : memref<320000x128xf32, #tpu.memory_space<hbm>> -> memref<200x128xf32, #tpu.memory_space<hbm>>
    %dma_start3A_8 = arith.constant 0 : i32
    %dma_start3A_9 = tpu.memref_slice %arg2[%mul3A_6, %dma_start3A_8] : memref<320000x128xf32, #tpu.memory_space<hbm>> -> memref<200x128xf32, #tpu.memory_space<hbm>>
    tpu.enqueue_dma source(%dma_start3A_9 : memref<200x128xf32, #tpu.memory_space<hbm>>) target(%arg8 : memref<200x128xf32, #tpu.memory_space<vmem>>) target_semaphore(%arg11 : memref<!tpu.dma_semaphore, #tpu.memory_space<semaphore_mem>>)
    %add3A_10 = arith.constant 1 : i32
    %add3A_11 = arith.addi %mul3A_2, %add3A_10 : i32
    %mul3A_12 = arith.constant 200 : i32
    %mul3A_13 = arith.muli %add3A_11, %mul3A_12 : i32
    %dma_start3A_14 = arith.constant 0 : i32
    %dma_start3A_15 = tpu.memref_slice %arg2[%mul3A_13, %dma_start3A_14] : memref<320000x128xf32, #tpu.memory_space<hbm>> -> memref<200x128xf32, #tpu.memory_space<hbm>>
    %dma_start3A_16 = arith.constant 0 : i32
    %dma_start3A_17 = tpu.memref_slice %arg2[%mul3A_13, %dma_start3A_16] : memref<320000x128xf32, #tpu.memory_space<hbm>> -> memref<200x128xf32, #tpu.memory_space<hbm>>
    tpu.enqueue_dma source(%dma_start3A_17 : memref<200x128xf32, #tpu.memory_space<hbm>>) target(%arg9 : memref<200x128xf32, #tpu.memory_space<vmem>>) target_semaphore(%arg12 : memref<!tpu.dma_semaphore, #tpu.memory_space<semaphore_mem>>)
    %scan3A = arith.constant 0 : i32
    %scan3A_18 = arith.constant 0 : i32
    %scan3A_19 = arith.constant 16 : i32
    %scan3A_20 = arith.addi %scan3A_18, %scan3A_19 : i32
    %scan3A_21 = arith.constant 1 : i32
    scf.for %scan3A_162 = %scan3A_18 to %scan3A_20 step %scan3A_21  : i32 {
      %mul3A_163 = arith.constant 3 : i32
      %mul3A_164 = arith.muli %scan3A_162, %mul3A_163 : i32
      %add3A_165 = arith.constant 0 : i32
      %add3A_166 = arith.addi %mul3A_164, %add3A_165 : i32
      %add3A_167 = arith.addi %mul3A_2, %add3A_166 : i32
      %mul3A_168 = arith.constant 200 : i32
      %mul3A_169 = arith.muli %add3A_167, %mul3A_168 : i32
      %dma_wait3A_170 = arith.constant 0 : i32
      %dma_wait3A_171 = tpu.memref_slice %arg2[%mul3A_169, %dma_wait3A_170] : memref<320000x128xf32, #tpu.memory_space<hbm>> -> memref<200x128xf32, #tpu.memory_space<hbm>>
      %dma_wait3A_172 = arith.constant 0 : i32
      %dma_wait3A_173 = tpu.memref_slice %arg2[%mul3A_169, %dma_wait3A_172] : memref<320000x128xf32, #tpu.memory_space<hbm>> -> memref<200x128xf32, #tpu.memory_space<hbm>>
      tpu.wait_dma2 semaphore(%arg11 : memref<!tpu.dma_semaphore, #tpu.memory_space<semaphore_mem>>) src(%dma_wait3A_173 : memref<200x128xf32, #tpu.memory_space<hbm>>) dst(%arg8 : memref<200x128xf32, #tpu.memory_space<vmem>>)
      %get3A_174 = arith.index_cast %add3A_166 : i32 to index
      %get3A_175 = arith.constant 0 : index
      %get3A_176 = tpu.vector_load %arg6[%get3A_174, %get3A_175] {strides = array<i32>} : memref<50x128xf32, #tpu.memory_space<vmem>>, vector<1x16xf32>,
      %get3A_177 = vector.shape_cast %get3A_176 : vector<1x16xf32> to vector<16xf32>
      %get3A_178 = arith.index_cast %add3A_166 : i32 to index
      %get3A_179 = arith.constant 16 : index
      %get3A_180 = tpu.vector_load %arg6[%get3A_178, %get3A_179] {strides = array<i32>} : memref<50x128xf32, #tpu.memory_space<vmem>>, vector<1x16xf32>,
      %get3A_181 = vector.shape_cast %get3A_180 : vector<1x16xf32> to vector<16xf32>
      %get3A_182 = arith.index_cast %add3A_166 : i32 to index
      %get3A_183 = arith.constant 32 : index
      %get3A_184 = tpu.vector_load %arg6[%get3A_182, %get3A_183] {strides = array<i32>} : memref<50x128xf32, #tpu.memory_space<vmem>>, vector<1x16xf32>,
      %get3A_185 = vector.shape_cast %get3A_184 : vector<1x16xf32> to vector<16xf32>
      %get3A_186 = arith.index_cast %add3A_166 : i32 to index
      %get3A_187 = arith.constant 48 : index
      %get3A_188 = tpu.vector_load %arg6[%get3A_186, %get3A_187] {strides = array<i32>} : memref<50x128xf32, #tpu.memory_space<vmem>>, vector<1x16xf32>,
      %get3A_189 = vector.shape_cast %get3A_188 : vector<1x16xf32> to vector<16xf32>
      %get3A_190 = arith.index_cast %add3A_166 : i32 to index
      %get3A_191 = arith.constant 64 : index
      %get3A_192 = tpu.vector_load %arg6[%get3A_190, %get3A_191] {strides = array<i32>} : memref<50x128xf32, #tpu.memory_space<vmem>>, vector<1x16xf32>,
      %get3A_193 = vector.shape_cast %get3A_192 : vector<1x16xf32> to vector<16xf32>
      %get3A_194 = arith.index_cast %add3A_166 : i32 to index
      %get3A_195 = arith.constant 80 : index
      %get3A_196 = tpu.vector_load %arg6[%get3A_194, %get3A_195] {strides = array<i32>} : memref<50x128xf32, #tpu.memory_space<vmem>>, vector<1x16xf32>,
      %get3A_197 = vector.shape_cast %get3A_196 : vector<1x16xf32> to vector<16xf32>
      %get3A_198 = arith.index_cast %add3A_166 : i32 to index
      %get3A_199 = arith.constant 96 : index
      %get3A_200 = tpu.vector_load %arg6[%get3A_198, %get3A_199] {strides = array<i32>} : memref<50x128xf32, #tpu.memory_space<vmem>>, vector<1x16xf32>,
      %get3A_201 = vector.shape_cast %get3A_200 : vector<1x16xf32> to vector<16xf32>
      %get3A_202 = arith.index_cast %add3A_166 : i32 to index
      %get3A_203 = arith.constant 112 : index
      %get3A_204 = tpu.vector_load %arg6[%get3A_202, %get3A_203] {strides = array<i32>} : memref<50x128xf32, #tpu.memory_space<vmem>>, vector<1x16xf32>,
      %get3A_205 = vector.shape_cast %get3A_204 : vector<1x16xf32> to vector<16xf32>
      %parallel_loop3A_206 = arith.constant 0 : i32
      %parallel_loop3A_207 = arith.constant 200 : i32
      %parallel_loop3A_208 = arith.constant 1 : i32
      scf.for %parallel_loop3A_361 = %parallel_loop3A_206 to %parallel_loop3A_207 step %parallel_loop3A_208  : i32 {
        %parallel_loop3A_362 = arith.index_cast %parallel_loop3A_361 : i32 to index
        %parallel_loop3A_363 = arith.constant 0 : index
        %parallel_loop3A_364 = tpu.vector_load %arg7[%parallel_loop3A_362, %parallel_loop3A_363] {strides = array<i32>} : memref<200x128xf32, #tpu.memory_space<vmem>>, vector<1x16xf32>,
        %parallel_loop3A_365 = vector.shape_cast %parallel_loop3A_364 : vector<1x16xf32> to vector<16xf32>
        %parallel_loop3A_366 = arith.addf %parallel_loop3A_365, %get3A_177 : vector<16xf32>
        %parallel_loop3A_367 = arith.index_cast %parallel_loop3A_361 : i32 to index
        %parallel_loop3A_368 = arith.constant 0 : index
        %parallel_loop3A_369 = tpu.vector_load %arg8[%parallel_loop3A_367, %parallel_loop3A_368] {strides = array<i32>} : memref<200x128xf32, #tpu.memory_space<vmem>>, vector<1x16xf32>,
        %parallel_loop3A_370 = vector.shape_cast %parallel_loop3A_369 : vector<1x16xf32> to vector<16xf32>
        %parallel_loop3A_371 = vector.shape_cast %parallel_loop3A_366 : vector<16xf32> to vector<1x16xf32>
        tpu.vector_store %arg8[%parallel_loop3A_367, %parallel_loop3A_368], %parallel_loop3A_371 {add = true, strides = array<i32>} : memref<200x128xf32, #tpu.memory_space<vmem>>, vector<1x16xf32>,
        %parallel_loop3A_372 = arith.index_cast %parallel_loop3A_361 : i32 to index
        %parallel_loop3A_373 = arith.constant 16 : index
        %parallel_loop3A_374 = tpu.vector_load %arg7[%parallel_loop3A_372, %parallel_loop3A_373] {strides = array<i32>} : memref<200x128xf32, #tpu.memory_space<vmem>>, vector<1x16xf32>,
        %parallel_loop3A_375 = vector.shape_cast %parallel_loop3A_374 : vector<1x16xf32> to vector<16xf32>
        %parallel_loop3A_376 = arith.addf %parallel_loop3A_375, %get3A_181 : vector<16xf32>
        %parallel_loop3A_377 = arith.index_cast %parallel_loop3A_361 : i32 to index
        %parallel_loop3A_378 = arith.constant 16 : index
        %parallel_loop3A_379 = tpu.vector_load %arg8[%parallel_loop3A_377, %parallel_loop3A_378] {strides = array<i32>} : memref<200x128xf32, #tpu.memory_space<vmem>>, vector<1x16xf32>,
        %parallel_loop3A_380 = vector.shape_cast %parallel_loop3A_379 : vector<1x16xf32> to vector<16xf32>
        %parallel_loop3A_381 = vector.shape_cast %parallel_loop3A_376 : vector<16xf32> to vector<1x16xf32>
        tpu.vector_store %arg8[%parallel_loop3A_377, %parallel_loop3A_378], %parallel_loop3A_381 {add = true, strides = array<i32>} : memref<200x128xf32, #tpu.memory_space<vmem>>, vector<1x16xf32>,
        %parallel_loop3A_382 = arith.index_cast %parallel_loop3A_361 : i32 to index
        %parallel_loop3A_383 = arith.constant 32 : index
        %parallel_loop3A_384 = tpu.vector_load %arg7[%parallel_loop3A_382, %parallel_loop3A_383] {strides = array<i32>} : memref<200x128xf32, #tpu.memory_space<vmem>>, vector<1x16xf32>,
        %parallel_loop3A_385 = vector.shape_cast %parallel_loop3A_384 : vector<1x16xf32> to vector<16xf32>
        %parallel_loop3A_386 = arith.addf %parallel_loop3A_385, %get3A_185 : vector<16xf32>
        %parallel_loop3A_387 = arith.index_cast %parallel_loop3A_361 : i32 to index
        %parallel_loop3A_388 = arith.constant 32 : index
        %parallel_loop3A_389 = tpu.vector_load %arg8[%parallel_loop3A_387, %parallel_loop3A_388] {strides = array<i32>} : memref<200x128xf32, #tpu.memory_space<vmem>>, vector<1x16xf32>,
        %parallel_loop3A_390 = vector.shape_cast %parallel_loop3A_389 : vector<1x16xf32> to vector<16xf32>
        %parallel_loop3A_391 = vector.shape_cast %parallel_loop3A_386 : vector<16xf32> to vector<1x16xf32>
        tpu.vector_store %arg8[%parallel_loop3A_387, %parallel_loop3A_388], %parallel_loop3A_391 {add = true, strides = array<i32>} : memref<200x128xf32, #tpu.memory_space<vmem>>, vector<1x16xf32>,
        %parallel_loop3A_392 = arith.index_cast %parallel_loop3A_361 : i32 to index
        %parallel_loop3A_393 = arith.constant 48 : index
        %parallel_loop3A_394 = tpu.vector_load %arg7[%parallel_loop3A_392, %parallel_loop3A_393] {strides = array<i32>} : memref<200x128xf32, #tpu.memory_space<vmem>>, vector<1x16xf32>,
        %parallel_loop3A_395 = vector.shape_cast %parallel_loop3A_394 : vector<1x16xf32> to vector<16xf32>
        %parallel_loop3A_396 = arith.addf %parallel_loop3A_395, %get3A_189 : vector<16xf32>
        %parallel_loop3A_397 = arith.index_cast %parallel_loop3A_361 : i32 to index
        %parallel_loop3A_398 = arith.constant 48 : index
        %parallel_loop3A_399 = tpu.vector_load %arg8[%parallel_loop3A_397, %parallel_loop3A_398] {strides = array<i32>} : memref<200x128xf32, #tpu.memory_space<vmem>>, vector<1x16xf32>,
        %parallel_loop3A_400 = vector.shape_cast %parallel_loop3A_399 : vector<1x16xf32> to vector<16xf32>
        %parallel_loop3A_401 = vector.shape_cast %parallel_loop3A_396 : vector<16xf32> to vector<1x16xf32>
        tpu.vector_store %arg8[%parallel_loop3A_397, %parallel_loop3A_398], %parallel_loop3A_401 {add = true, strides = array<i32>} : memref<200x128xf32, #tpu.memory_space<vmem>>, vector<1x16xf32>,
        %parallel_loop3A_402 = arith.index_cast %parallel_loop3A_361 : i32 to index
        %parallel_loop3A_403 = arith.constant 64 : index
        %parallel_loop3A_404 = tpu.vector_load %arg7[%parallel_loop3A_402, %parallel_loop3A_403] {strides = array<i32>} : memref<200x128xf32, #tpu.memory_space<vmem>>, vector<1x16xf32>,
        %parallel_loop3A_405 = vector.shape_cast %parallel_loop3A_404 : vector<1x16xf32> to vector<16xf32>
        %parallel_loop3A_406 = arith.addf %parallel_loop3A_405, %get3A_193 : vector<16xf32>
        %parallel_loop3A_407 = arith.index_cast %parallel_loop3A_361 : i32 to index
        %parallel_loop3A_408 = arith.constant 64 : index
        %parallel_loop3A_409 = tpu.vector_load %arg8[%parallel_loop3A_407, %parallel_loop3A_408] {strides = array<i32>} : memref<200x128xf32, #tpu.memory_space<vmem>>, vector<1x16xf32>,
        %parallel_loop3A_410 = vector.shape_cast %parallel_loop3A_409 : vector<1x16xf32> to vector<16xf32>
        %parallel_loop3A_411 = vector.shape_cast %parallel_loop3A_406 : vector<16xf32> to vector<1x16xf32>
        tpu.vector_store %arg8[%parallel_loop3A_407, %parallel_loop3A_408], %parallel_loop3A_411 {add = true, strides = array<i32>} : memref<200x128xf32, #tpu.memory_space<vmem>>, vector<1x16xf32>,
        %parallel_loop3A_412 = arith.index_cast %parallel_loop3A_361 : i32 to index
        %parallel_loop3A_413 = arith.constant 80 : index
        %parallel_loop3A_414 = tpu.vector_load %arg7[%parallel_loop3A_412, %parallel_loop3A_413] {strides = array<i32>} : memref<200x128xf32, #tpu.memory_space<vmem>>, vector<1x16xf32>,
        %parallel_loop3A_415 = vector.shape_cast %parallel_loop3A_414 : vector<1x16xf32> to vector<16xf32>
        %parallel_loop3A_416 = arith.addf %parallel_loop3A_415, %get3A_197 : vector<16xf32>
        %parallel_loop3A_417 = arith.index_cast %parallel_loop3A_361 : i32 to index
        %parallel_loop3A_418 = arith.constant 80 : index
        %parallel_loop3A_419 = tpu.vector_load %arg8[%parallel_loop3A_417, %parallel_loop3A_418] {strides = array<i32>} : memref<200x128xf32, #tpu.memory_space<vmem>>, vector<1x16xf32>,
        %parallel_loop3A_420 = vector.shape_cast %parallel_loop3A_419 : vector<1x16xf32> to vector<16xf32>
        %parallel_loop3A_421 = vector.shape_cast %parallel_loop3A_416 : vector<16xf32> to vector<1x16xf32>
        tpu.vector_store %arg8[%parallel_loop3A_417, %parallel_loop3A_418], %parallel_loop3A_421 {add = true, strides = array<i32>} : memref<200x128xf32, #tpu.memory_space<vmem>>, vector<1x16xf32>,
        %parallel_loop3A_422 = arith.index_cast %parallel_loop3A_361 : i32 to index
        %parallel_loop3A_423 = arith.constant 96 : index
        %parallel_loop3A_424 = tpu.vector_load %arg7[%parallel_loop3A_422, %parallel_loop3A_423] {strides = array<i32>} : memref<200x128xf32, #tpu.memory_space<vmem>>, vector<1x16xf32>,
        %parallel_loop3A_425 = vector.shape_cast %parallel_loop3A_424 : vector<1x16xf32> to vector<16xf32>
        %parallel_loop3A_426 = arith.addf %parallel_loop3A_425, %get3A_201 : vector<16xf32>
        %parallel_loop3A_427 = arith.index_cast %parallel_loop3A_361 : i32 to index
        %parallel_loop3A_428 = arith.constant 96 : index
        %parallel_loop3A_429 = tpu.vector_load %arg8[%parallel_loop3A_427, %parallel_loop3A_428] {strides = array<i32>} : memref<200x128xf32, #tpu.memory_space<vmem>>, vector<1x16xf32>,
        %parallel_loop3A_430 = vector.shape_cast %parallel_loop3A_429 : vector<1x16xf32> to vector<16xf32>
        %parallel_loop3A_431 = vector.shape_cast %parallel_loop3A_426 : vector<16xf32> to vector<1x16xf32>
        tpu.vector_store %arg8[%parallel_loop3A_427, %parallel_loop3A_428], %parallel_loop3A_431 {add = true, strides = array<i32>} : memref<200x128xf32, #tpu.memory_space<vmem>>, vector<1x16xf32>,
        %parallel_loop3A_432 = arith.index_cast %parallel_loop3A_361 : i32 to index
        %parallel_loop3A_433 = arith.constant 112 : index
        %parallel_loop3A_434 = tpu.vector_load %arg7[%parallel_loop3A_432, %parallel_loop3A_433] {strides = array<i32>} : memref<200x128xf32, #tpu.memory_space<vmem>>, vector<1x16xf32>,
        %parallel_loop3A_435 = vector.shape_cast %parallel_loop3A_434 : vector<1x16xf32> to vector<16xf32>
        %parallel_loop3A_436 = arith.addf %parallel_loop3A_435, %get3A_205 : vector<16xf32>
        %parallel_loop3A_437 = arith.index_cast %parallel_loop3A_361 : i32 to index
        %parallel_loop3A_438 = arith.constant 112 : index
        %parallel_loop3A_439 = tpu.vector_load %arg8[%parallel_loop3A_437, %parallel_loop3A_438] {strides = array<i32>} : memref<200x128xf32, #tpu.memory_space<vmem>>, vector<1x16xf32>,
        %parallel_loop3A_440 = vector.shape_cast %parallel_loop3A_439 : vector<1x16xf32> to vector<16xf32>
        %parallel_loop3A_441 = vector.shape_cast %parallel_loop3A_436 : vector<16xf32> to vector<1x16xf32>
        tpu.vector_store %arg8[%parallel_loop3A_437, %parallel_loop3A_438], %parallel_loop3A_441 {add = true, strides = array<i32>} : memref<200x128xf32, #tpu.memory_space<vmem>>, vector<1x16xf32>,
      } {sc.loop_unroll_factor = 4 : i64, sc.parallel_access}
      %add3A_209 = arith.addi %mul3A_2, %add3A_166 : i32
      %mul3A_210 = arith.constant 200 : i32
      %mul3A_211 = arith.muli %add3A_209, %mul3A_210 : i32
      %dma_start3A_212 = arith.constant 0 : i32
      %dma_start3A_213 = tpu.memref_slice %arg5[%mul3A_211, %dma_start3A_212] : memref<320000x128xf32, #tpu.memory_space<hbm>> -> memref<200x128xf32, #tpu.memory_space<hbm>>
      %dma_start3A_214 = arith.constant 0 : i32
      %dma_start3A_215 = tpu.memref_slice %arg5[%mul3A_211, %dma_start3A_214] : memref<320000x128xf32, #tpu.memory_space<hbm>> -> memref<200x128xf32, #tpu.memory_space<hbm>>
      tpu.enqueue_dma source(%arg8 : memref<200x128xf32, #tpu.memory_space<vmem>>) target(%dma_start3A_215 : memref<200x128xf32, #tpu.memory_space<hbm>>) target_semaphore(%arg14 : memref<!tpu.dma_semaphore, #tpu.memory_space<semaphore_mem>>)
      %ge3A = arith.constant 1 : i32
      %ge3A_216 = arith.cmpi sge, %add3A_166, %ge3A : i32
      %convert_element_type3A = arith.extui %ge3A_216 : i1 to i32
      %cond3A = arith.constant 0 : i32
      %cond3A_217 = arith.cmpi ne, %convert_element_type3A, %cond3A : i32
      scf.if %cond3A_217 {
        %sub3A = arith.constant 1 : i32
        %sub3A_361 = arith.subi %add3A_166, %sub3A : i32
        %add3A_362 = arith.addi %mul3A_2, %sub3A_361 : i32
        %mul3A_363 = arith.constant 200 : i32
        %mul3A_364 = arith.muli %add3A_362, %mul3A_363 : i32
        %dma_wait3A_365 = arith.constant 0 : i32
        %dma_wait3A_366 = tpu.memref_slice %arg5[%mul3A_364, %dma_wait3A_365] : memref<320000x128xf32, #tpu.memory_space<hbm>> -> memref<200x128xf32, #tpu.memory_space<hbm>>
        %dma_wait3A_367 = arith.constant 0 : i32
        %dma_wait3A_368 = tpu.memref_slice %arg5[%mul3A_364, %dma_wait3A_367] : memref<320000x128xf32, #tpu.memory_space<hbm>> -> memref<200x128xf32, #tpu.memory_space<hbm>>
        tpu.wait_dma2 semaphore(%arg16 : memref<!tpu.dma_semaphore, #tpu.memory_space<semaphore_mem>>) src(%arg10 : memref<200x128xf32, #tpu.memory_space<vmem>>) dst(%dma_wait3A_368 : memref<200x128xf32, #tpu.memory_space<hbm>>)
      } else {
      }
      %add3A_218 = arith.constant 2 : i32
      %add3A_219 = arith.addi %add3A_166, %add3A_218 : i32
      %add3A_220 = arith.addi %mul3A_2, %add3A_219 : i32
      %mul3A_221 = arith.constant 200 : i32
      %mul3A_222 = arith.muli %add3A_220, %mul3A_221 : i32
      %dma_start3A_223 = arith.constant 0 : i32
      %dma_start3A_224 = tpu.memref_slice %arg2[%mul3A_222, %dma_start3A_223] : memref<320000x128xf32, #tpu.memory_space<hbm>> -> memref<200x128xf32, #tpu.memory_space<hbm>>
      %dma_start3A_225 = arith.constant 0 : i32
      %dma_start3A_226 = tpu.memref_slice %arg2[%mul3A_222, %dma_start3A_225] : memref<320000x128xf32, #tpu.memory_space<hbm>> -> memref<200x128xf32, #tpu.memory_space<hbm>>
      tpu.enqueue_dma source(%dma_start3A_226 : memref<200x128xf32, #tpu.memory_space<hbm>>) target(%arg10 : memref<200x128xf32, #tpu.memory_space<vmem>>) target_semaphore(%arg13 : memref<!tpu.dma_semaphore, #tpu.memory_space<semaphore_mem>>)
      %mul3A_227 = arith.constant 3 : i32
      %mul3A_228 = arith.muli %scan3A_162, %mul3A_227 : i32
      %add3A_229 = arith.constant 1 : i32
      %add3A_230 = arith.addi %mul3A_228, %add3A_229 : i32
      %add3A_231 = arith.addi %mul3A_2, %add3A_230 : i32
      %mul3A_232 = arith.constant 200 : i32
      %mul3A_233 = arith.muli %add3A_231, %mul3A_232 : i32
      %dma_wait3A_234 = arith.constant 0 : i32
      %dma_wait3A_235 = tpu.memref_slice %arg2[%mul3A_233, %dma_wait3A_234] : memref<320000x128xf32, #tpu.memory_space<hbm>> -> memref<200x128xf32, #tpu.memory_space<hbm>>
      %dma_wait3A_236 = arith.constant 0 : i32
      %dma_wait3A_237 = tpu.memref_slice %arg2[%mul3A_233, %dma_wait3A_236] : memref<320000x128xf32, #tpu.memory_space<hbm>> -> memref<200x128xf32, #tpu.memory_space<hbm>>
      tpu.wait_dma2 semaphore(%arg12 : memref<!tpu.dma_semaphore, #tpu.memory_space<semaphore_mem>>) src(%dma_wait3A_237 : memref<200x128xf32, #tpu.memory_space<hbm>>) dst(%arg9 : memref<200x128xf32, #tpu.memory_space<vmem>>)
      %get3A_238 = arith.index_cast %add3A_230 : i32 to index
      %get3A_239 = arith.constant 0 : index
      %get3A_240 = tpu.vector_load %arg6[%get3A_238, %get3A_239] {strides = array<i32>} : memref<50x128xf32, #tpu.memory_space<vmem>>, vector<1x16xf32>,
      %get3A_241 = vector.shape_cast %get3A_240 : vector<1x16xf32> to vector<16xf32>
      %get3A_242 = arith.index_cast %add3A_230 : i32 to index
      %get3A_243 = arith.constant 16 : index
      %get3A_244 = tpu.vector_load %arg6[%get3A_242, %get3A_243] {strides = array<i32>} : memref<50x128xf32, #tpu.memory_space<vmem>>, vector<1x16xf32>,
      %get3A_245 = vector.shape_cast %get3A_244 : vector<1x16xf32> to vector<16xf32>
      %get3A_246 = arith.index_cast %add3A_230 : i32 to index
      %get3A_247 = arith.constant 32 : index
      %get3A_248 = tpu.vector_load %arg6[%get3A_246, %get3A_247] {strides = array<i32>} : memref<50x128xf32, #tpu.memory_space<vmem>>, vector<1x16xf32>,
      %get3A_249 = vector.shape_cast %get3A_248 : vector<1x16xf32> to vector<16xf32>
      %get3A_250 = arith.index_cast %add3A_230 : i32 to index
      %get3A_251 = arith.constant 48 : index
      %get3A_252 = tpu.vector_load %arg6[%get3A_250, %get3A_251] {strides = array<i32>} : memref<50x128xf32, #tpu.memory_space<vmem>>, vector<1x16xf32>,
      %get3A_253 = vector.shape_cast %get3A_252 : vector<1x16xf32> to vector<16xf32>
      %get3A_254 = arith.index_cast %add3A_230 : i32 to index
      %get3A_255 = arith.constant 64 : index
      %get3A_256 = tpu.vector_load %arg6[%get3A_254, %get3A_255] {strides = array<i32>} : memref<50x128xf32, #tpu.memory_space<vmem>>, vector<1x16xf32>,
      %get3A_257 = vector.shape_cast %get3A_256 : vector<1x16xf32> to vector<16xf32>
      %get3A_258 = arith.index_cast %add3A_230 : i32 to index
      %get3A_259 = arith.constant 80 : index
      %get3A_260 = tpu.vector_load %arg6[%get3A_258, %get3A_259] {strides = array<i32>} : memref<50x128xf32, #tpu.memory_space<vmem>>, vector<1x16xf32>,
      %get3A_261 = vector.shape_cast %get3A_260 : vector<1x16xf32> to vector<16xf32>
      %get3A_262 = arith.index_cast %add3A_230 : i32 to index
      %get3A_263 = arith.constant 96 : index
      %get3A_264 = tpu.vector_load %arg6[%get3A_262, %get3A_263] {strides = array<i32>} : memref<50x128xf32, #tpu.memory_space<vmem>>, vector<1x16xf32>,
      %get3A_265 = vector.shape_cast %get3A_264 : vector<1x16xf32> to vector<16xf32>
      %get3A_266 = arith.index_cast %add3A_230 : i32 to index
      %get3A_267 = arith.constant 112 : index
      %get3A_268 = tpu.vector_load %arg6[%get3A_266, %get3A_267] {strides = array<i32>} : memref<50x128xf32, #tpu.memory_space<vmem>>, vector<1x16xf32>,
      %get3A_269 = vector.shape_cast %get3A_268 : vector<1x16xf32> to vector<16xf32>
      %parallel_loop3A_270 = arith.constant 0 : i32
      %parallel_loop3A_271 = arith.constant 200 : i32
      %parallel_loop3A_272 = arith.constant 1 : i32
      scf.for %parallel_loop3A_361 = %parallel_loop3A_270 to %parallel_loop3A_271 step %parallel_loop3A_272  : i32 {
        %parallel_loop3A_362 = arith.index_cast %parallel_loop3A_361 : i32 to index
        %parallel_loop3A_363 = arith.constant 0 : index
        %parallel_loop3A_364 = tpu.vector_load %arg7[%parallel_loop3A_362, %parallel_loop3A_363] {strides = array<i32>} : memref<200x128xf32, #tpu.memory_space<vmem>>, vector<1x16xf32>,
        %parallel_loop3A_365 = vector.shape_cast %parallel_loop3A_364 : vector<1x16xf32> to vector<16xf32>
        %parallel_loop3A_366 = arith.addf %parallel_loop3A_365, %get3A_241 : vector<16xf32>
        %parallel_loop3A_367 = arith.index_cast %parallel_loop3A_361 : i32 to index
        %parallel_loop3A_368 = arith.constant 0 : index
        %parallel_loop3A_369 = tpu.vector_load %arg9[%parallel_loop3A_367, %parallel_loop3A_368] {strides = array<i32>} : memref<200x128xf32, #tpu.memory_space<vmem>>, vector<1x16xf32>,
        %parallel_loop3A_370 = vector.shape_cast %parallel_loop3A_369 : vector<1x16xf32> to vector<16xf32>
        %parallel_loop3A_371 = vector.shape_cast %parallel_loop3A_366 : vector<16xf32> to vector<1x16xf32>
        tpu.vector_store %arg9[%parallel_loop3A_367, %parallel_loop3A_368], %parallel_loop3A_371 {add = true, strides = array<i32>} : memref<200x128xf32, #tpu.memory_space<vmem>>, vector<1x16xf32>,
        %parallel_loop3A_372 = arith.index_cast %parallel_loop3A_361 : i32 to index
        %parallel_loop3A_373 = arith.constant 16 : index
        %parallel_loop3A_374 = tpu.vector_load %arg7[%parallel_loop3A_372, %parallel_loop3A_373] {strides = array<i32>} : memref<200x128xf32, #tpu.memory_space<vmem>>, vector<1x16xf32>,
        %parallel_loop3A_375 = vector.shape_cast %parallel_loop3A_374 : vector<1x16xf32> to vector<16xf32>
        %parallel_loop3A_376 = arith.addf %parallel_loop3A_375, %get3A_245 : vector<16xf32>
        %parallel_loop3A_377 = arith.index_cast %parallel_loop3A_361 : i32 to index
        %parallel_loop3A_378 = arith.constant 16 : index
        %parallel_loop3A_379 = tpu.vector_load %arg9[%parallel_loop3A_377, %parallel_loop3A_378] {strides = array<i32>} : memref<200x128xf32, #tpu.memory_space<vmem>>, vector<1x16xf32>,
        %parallel_loop3A_380 = vector.shape_cast %parallel_loop3A_379 : vector<1x16xf32> to vector<16xf32>
        %parallel_loop3A_381 = vector.shape_cast %parallel_loop3A_376 : vector<16xf32> to vector<1x16xf32>
        tpu.vector_store %arg9[%parallel_loop3A_377, %parallel_loop3A_378], %parallel_loop3A_381 {add = true, strides = array<i32>} : memref<200x128xf32, #tpu.memory_space<vmem>>, vector<1x16xf32>,
        %parallel_loop3A_382 = arith.index_cast %parallel_loop3A_361 : i32 to index
        %parallel_loop3A_383 = arith.constant 32 : index
        %parallel_loop3A_384 = tpu.vector_load %arg7[%parallel_loop3A_382, %parallel_loop3A_383] {strides = array<i32>} : memref<200x128xf32, #tpu.memory_space<vmem>>, vector<1x16xf32>,
        %parallel_loop3A_385 = vector.shape_cast %parallel_loop3A_384 : vector<1x16xf32> to vector<16xf32>
        %parallel_loop3A_386 = arith.addf %parallel_loop3A_385, %get3A_249 : vector<16xf32>
        %parallel_loop3A_387 = arith.index_cast %parallel_loop3A_361 : i32 to index
        %parallel_loop3A_388 = arith.constant 32 : index
        %parallel_loop3A_389 = tpu.vector_load %arg9[%parallel_loop3A_387, %parallel_loop3A_388] {strides = array<i32>} : memref<200x128xf32, #tpu.memory_space<vmem>>, vector<1x16xf32>,
        %parallel_loop3A_390 = vector.shape_cast %parallel_loop3A_389 : vector<1x16xf32> to vector<16xf32>
        %parallel_loop3A_391 = vector.shape_cast %parallel_loop3A_386 : vector<16xf32> to vector<1x16xf32>
        tpu.vector_store %arg9[%parallel_loop3A_387, %parallel_loop3A_388], %parallel_loop3A_391 {add = true, strides = array<i32>} : memref<200x128xf32, #tpu.memory_space<vmem>>, vector<1x16xf32>,
        %parallel_loop3A_392 = arith.index_cast %parallel_loop3A_361 : i32 to index
        %parallel_loop3A_393 = arith.constant 48 : index
        %parallel_loop3A_394 = tpu.vector_load %arg7[%parallel_loop3A_392, %parallel_loop3A_393] {strides = array<i32>} : memref<200x128xf32, #tpu.memory_space<vmem>>, vector<1x16xf32>,
        %parallel_loop3A_395 = vector.shape_cast %parallel_loop3A_394 : vector<1x16xf32> to vector<16xf32>
        %parallel_loop3A_396 = arith.addf %parallel_loop3A_395, %get3A_253 : vector<16xf32>
        %parallel_loop3A_397 = arith.index_cast %parallel_loop3A_361 : i32 to index
        %parallel_loop3A_398 = arith.constant 48 : index
        %parallel_loop3A_399 = tpu.vector_load %arg9[%parallel_loop3A_397, %parallel_loop3A_398] {strides = array<i32>} : memref<200x128xf32, #tpu.memory_space<vmem>>, vector<1x16xf32>,
        %parallel_loop3A_400 = vector.shape_cast %parallel_loop3A_399 : vector<1x16xf32> to vector<16xf32>
        %parallel_loop3A_401 = vector.shape_cast %parallel_loop3A_396 : vector<16xf32> to vector<1x16xf32>
        tpu.vector_store %arg9[%parallel_loop3A_397, %parallel_loop3A_398], %parallel_loop3A_401 {add = true, strides = array<i32>} : memref<200x128xf32, #tpu.memory_space<vmem>>, vector<1x16xf32>,
        %parallel_loop3A_402 = arith.index_cast %parallel_loop3A_361 : i32 to index
        %parallel_loop3A_403 = arith.constant 64 : index
        %parallel_loop3A_404 = tpu.vector_load %arg7[%parallel_loop3A_402, %parallel_loop3A_403] {strides = array<i32>} : memref<200x128xf32, #tpu.memory_space<vmem>>, vector<1x16xf32>,
        %parallel_loop3A_405 = vector.shape_cast %parallel_loop3A_404 : vector<1x16xf32> to vector<16xf32>
        %parallel_loop3A_406 = arith.addf %parallel_loop3A_405, %get3A_257 : vector<16xf32>
        %parallel_loop3A_407 = arith.index_cast %parallel_loop3A_361 : i32 to index
        %parallel_loop3A_408 = arith.constant 64 : index
        %parallel_loop3A_409 = tpu.vector_load %arg9[%parallel_loop3A_407, %parallel_loop3A_408] {strides = array<i32>} : memref<200x128xf32, #tpu.memory_space<vmem>>, vector<1x16xf32>,
        %parallel_loop3A_410 = vector.shape_cast %parallel_loop3A_409 : vector<1x16xf32> to vector<16xf32>
        %parallel_loop3A_411 = vector.shape_cast %parallel_loop3A_406 : vector<16xf32> to vector<1x16xf32>
        tpu.vector_store %arg9[%parallel_loop3A_407, %parallel_loop3A_408], %parallel_loop3A_411 {add = true, strides = array<i32>} : memref<200x128xf32, #tpu.memory_space<vmem>>, vector<1x16xf32>,
        %parallel_loop3A_412 = arith.index_cast %parallel_loop3A_361 : i32 to index
        %parallel_loop3A_413 = arith.constant 80 : index
        %parallel_loop3A_414 = tpu.vector_load %arg7[%parallel_loop3A_412, %parallel_loop3A_413] {strides = array<i32>} : memref<200x128xf32, #tpu.memory_space<vmem>>, vector<1x16xf32>,
        %parallel_loop3A_415 = vector.shape_cast %parallel_loop3A_414 : vector<1x16xf32> to vector<16xf32>
        %parallel_loop3A_416 = arith.addf %parallel_loop3A_415, %get3A_261 : vector<16xf32>
        %parallel_loop3A_417 = arith.index_cast %parallel_loop3A_361 : i32 to index
        %parallel_loop3A_418 = arith.constant 80 : index
        %parallel_loop3A_419 = tpu.vector_load %arg9[%parallel_loop3A_417, %parallel_loop3A_418] {strides = array<i32>} : memref<200x128xf32, #tpu.memory_space<vmem>>, vector<1x16xf32>,
        %parallel_loop3A_420 = vector.shape_cast %parallel_loop3A_419 : vector<1x16xf32> to vector<16xf32>
        %parallel_loop3A_421 = vector.shape_cast %parallel_loop3A_416 : vector<16xf32> to vector<1x16xf32>
        tpu.vector_store %arg9[%parallel_loop3A_417, %parallel_loop3A_418], %parallel_loop3A_421 {add = true, strides = array<i32>} : memref<200x128xf32, #tpu.memory_space<vmem>>, vector<1x16xf32>,
        %parallel_loop3A_422 = arith.index_cast %parallel_loop3A_361 : i32 to index
        %parallel_loop3A_423 = arith.constant 96 : index
        %parallel_loop3A_424 = tpu.vector_load %arg7[%parallel_loop3A_422, %parallel_loop3A_423] {strides = array<i32>} : memref<200x128xf32, #tpu.memory_space<vmem>>, vector<1x16xf32>,
        %parallel_loop3A_425 = vector.shape_cast %parallel_loop3A_424 : vector<1x16xf32> to vector<16xf32>
        %parallel_loop3A_426 = arith.addf %parallel_loop3A_425, %get3A_265 : vector<16xf32>
        %parallel_loop3A_427 = arith.index_cast %parallel_loop3A_361 : i32 to index
        %parallel_loop3A_428 = arith.constant 96 : index
        %parallel_loop3A_429 = tpu.vector_load %arg9[%parallel_loop3A_427, %parallel_loop3A_428] {strides = array<i32>} : memref<200x128xf32, #tpu.memory_space<vmem>>, vector<1x16xf32>,
        %parallel_loop3A_430 = vector.shape_cast %parallel_loop3A_429 : vector<1x16xf32> to vector<16xf32>
        %parallel_loop3A_431 = vector.shape_cast %parallel_loop3A_426 : vector<16xf32> to vector<1x16xf32>
        tpu.vector_store %arg9[%parallel_loop3A_427, %parallel_loop3A_428], %parallel_loop3A_431 {add = true, strides = array<i32>} : memref<200x128xf32, #tpu.memory_space<vmem>>, vector<1x16xf32>,
        %parallel_loop3A_432 = arith.index_cast %parallel_loop3A_361 : i32 to index
        %parallel_loop3A_433 = arith.constant 112 : index
        %parallel_loop3A_434 = tpu.vector_load %arg7[%parallel_loop3A_432, %parallel_loop3A_433] {strides = array<i32>} : memref<200x128xf32, #tpu.memory_space<vmem>>, vector<1x16xf32>,
        %parallel_loop3A_435 = vector.shape_cast %parallel_loop3A_434 : vector<1x16xf32> to vector<16xf32>
        %parallel_loop3A_436 = arith.addf %parallel_loop3A_435, %get3A_269 : vector<16xf32>
        %parallel_loop3A_437 = arith.index_cast %parallel_loop3A_361 : i32 to index
        %parallel_loop3A_438 = arith.constant 112 : index
        %parallel_loop3A_439 = tpu.vector_load %arg9[%parallel_loop3A_437, %parallel_loop3A_438] {strides = array<i32>} : memref<200x128xf32, #tpu.memory_space<vmem>>, vector<1x16xf32>,
        %parallel_loop3A_440 = vector.shape_cast %parallel_loop3A_439 : vector<1x16xf32> to vector<16xf32>
        %parallel_loop3A_441 = vector.shape_cast %parallel_loop3A_436 : vector<16xf32> to vector<1x16xf32>
        tpu.vector_store %arg9[%parallel_loop3A_437, %parallel_loop3A_438], %parallel_loop3A_441 {add = true, strides = array<i32>} : memref<200x128xf32, #tpu.memory_space<vmem>>, vector<1x16xf32>,
      } {sc.loop_unroll_factor = 4 : i64, sc.parallel_access}
      %add3A_273 = arith.addi %mul3A_2, %add3A_230 : i32
      %mul3A_274 = arith.constant 200 : i32
      %mul3A_275 = arith.muli %add3A_273, %mul3A_274 : i32
      %dma_start3A_276 = arith.constant 0 : i32
      %dma_start3A_277 = tpu.memref_slice %arg5[%mul3A_275, %dma_start3A_276] : memref<320000x128xf32, #tpu.memory_space<hbm>> -> memref<200x128xf32, #tpu.memory_space<hbm>>
      %dma_start3A_278 = arith.constant 0 : i32
      %dma_start3A_279 = tpu.memref_slice %arg5[%mul3A_275, %dma_start3A_278] : memref<320000x128xf32, #tpu.memory_space<hbm>> -> memref<200x128xf32, #tpu.memory_space<hbm>>
      tpu.enqueue_dma source(%arg9 : memref<200x128xf32, #tpu.memory_space<vmem>>) target(%dma_start3A_279 : memref<200x128xf32, #tpu.memory_space<hbm>>) target_semaphore(%arg15 : memref<!tpu.dma_semaphore, #tpu.memory_space<semaphore_mem>>)
      %ge3A_280 = arith.constant 1 : i32
      %ge3A_281 = arith.cmpi sge, %add3A_230, %ge3A_280 : i32
      %convert_element_type3A_282 = arith.extui %ge3A_281 : i1 to i32
      %cond3A_283 = arith.constant 0 : i32
      %cond3A_284 = arith.cmpi ne, %convert_element_type3A_282, %cond3A_283 : i32
      scf.if %cond3A_284 {
        %sub3A = arith.constant 1 : i32
        %sub3A_361 = arith.subi %add3A_230, %sub3A : i32
        %add3A_362 = arith.addi %mul3A_2, %sub3A_361 : i32
        %mul3A_363 = arith.constant 200 : i32
        %mul3A_364 = arith.muli %add3A_362, %mul3A_363 : i32
        %dma_wait3A_365 = arith.constant 0 : i32
        %dma_wait3A_366 = tpu.memref_slice %arg5[%mul3A_364, %dma_wait3A_365] : memref<320000x128xf32, #tpu.memory_space<hbm>> -> memref<200x128xf32, #tpu.memory_space<hbm>>
        %dma_wait3A_367 = arith.constant 0 : i32
        %dma_wait3A_368 = tpu.memref_slice %arg5[%mul3A_364, %dma_wait3A_367] : memref<320000x128xf32, #tpu.memory_space<hbm>> -> memref<200x128xf32, #tpu.memory_space<hbm>>
        tpu.wait_dma2 semaphore(%arg14 : memref<!tpu.dma_semaphore, #tpu.memory_space<semaphore_mem>>) src(%arg8 : memref<200x128xf32, #tpu.memory_space<vmem>>) dst(%dma_wait3A_368 : memref<200x128xf32, #tpu.memory_space<hbm>>)
      } else {
      }
      %add3A_285 = arith.constant 2 : i32
      %add3A_286 = arith.addi %add3A_230, %add3A_285 : i32
      %add3A_287 = arith.addi %mul3A_2, %add3A_286 : i32
      %mul3A_288 = arith.constant 200 : i32
      %mul3A_289 = arith.muli %add3A_287, %mul3A_288 : i32
      %dma_start3A_290 = arith.constant 0 : i32
      %dma_start3A_291 = tpu.memref_slice %arg2[%mul3A_289, %dma_start3A_290] : memref<320000x128xf32, #tpu.memory_space<hbm>> -> memref<200x128xf32, #tpu.memory_space<hbm>>
      %dma_start3A_292 = arith.constant 0 : i32
      %dma_start3A_293 = tpu.memref_slice %arg2[%mul3A_289, %dma_start3A_292] : memref<320000x128xf32, #tpu.memory_space<hbm>> -> memref<200x128xf32, #tpu.memory_space<hbm>>
      tpu.enqueue_dma source(%dma_start3A_293 : memref<200x128xf32, #tpu.memory_space<hbm>>) target(%arg8 : memref<200x128xf32, #tpu.memory_space<vmem>>) target_semaphore(%arg11 : memref<!tpu.dma_semaphore, #tpu.memory_space<semaphore_mem>>)
      %mul3A_294 = arith.constant 3 : i32
      %mul3A_295 = arith.muli %scan3A_162, %mul3A_294 : i32
      %add3A_296 = arith.constant 2 : i32
      %add3A_297 = arith.addi %mul3A_295, %add3A_296 : i32
      %add3A_298 = arith.addi %mul3A_2, %add3A_297 : i32
      %mul3A_299 = arith.constant 200 : i32
      %mul3A_300 = arith.muli %add3A_298, %mul3A_299 : i32
      %dma_wait3A_301 = arith.constant 0 : i32
      %dma_wait3A_302 = tpu.memref_slice %arg2[%mul3A_300, %dma_wait3A_301] : memref<320000x128xf32, #tpu.memory_space<hbm>> -> memref<200x128xf32, #tpu.memory_space<hbm>>
      %dma_wait3A_303 = arith.constant 0 : i32
      %dma_wait3A_304 = tpu.memref_slice %arg2[%mul3A_300, %dma_wait3A_303] : memref<320000x128xf32, #tpu.memory_space<hbm>> -> memref<200x128xf32, #tpu.memory_space<hbm>>
      tpu.wait_dma2 semaphore(%arg13 : memref<!tpu.dma_semaphore, #tpu.memory_space<semaphore_mem>>) src(%dma_wait3A_304 : memref<200x128xf32, #tpu.memory_space<hbm>>) dst(%arg10 : memref<200x128xf32, #tpu.memory_space<vmem>>)
      %get3A_305 = arith.index_cast %add3A_297 : i32 to index
      %get3A_306 = arith.constant 0 : index
      %get3A_307 = tpu.vector_load %arg6[%get3A_305, %get3A_306] {strides = array<i32>} : memref<50x128xf32, #tpu.memory_space<vmem>>, vector<1x16xf32>,
      %get3A_308 = vector.shape_cast %get3A_307 : vector<1x16xf32> to vector<16xf32>
      %get3A_309 = arith.index_cast %add3A_297 : i32 to index
      %get3A_310 = arith.constant 16 : index
      %get3A_311 = tpu.vector_load %arg6[%get3A_309, %get3A_310] {strides = array<i32>} : memref<50x128xf32, #tpu.memory_space<vmem>>, vector<1x16xf32>,
      %get3A_312 = vector.shape_cast %get3A_311 : vector<1x16xf32> to vector<16xf32>
      %get3A_313 = arith.index_cast %add3A_297 : i32 to index
      %get3A_314 = arith.constant 32 : index
      %get3A_315 = tpu.vector_load %arg6[%get3A_313, %get3A_314] {strides = array<i32>} : memref<50x128xf32, #tpu.memory_space<vmem>>, vector<1x16xf32>,
      %get3A_316 = vector.shape_cast %get3A_315 : vector<1x16xf32> to vector<16xf32>
      %get3A_317 = arith.index_cast %add3A_297 : i32 to index
      %get3A_318 = arith.constant 48 : index
      %get3A_319 = tpu.vector_load %arg6[%get3A_317, %get3A_318] {strides = array<i32>} : memref<50x128xf32, #tpu.memory_space<vmem>>, vector<1x16xf32>,
      %get3A_320 = vector.shape_cast %get3A_319 : vector<1x16xf32> to vector<16xf32>
      %get3A_321 = arith.index_cast %add3A_297 : i32 to index
      %get3A_322 = arith.constant 64 : index
      %get3A_323 = tpu.vector_load %arg6[%get3A_321, %get3A_322] {strides = array<i32>} : memref<50x128xf32, #tpu.memory_space<vmem>>, vector<1x16xf32>,
      %get3A_324 = vector.shape_cast %get3A_323 : vector<1x16xf32> to vector<16xf32>
      %get3A_325 = arith.index_cast %add3A_297 : i32 to index
      %get3A_326 = arith.constant 80 : index
      %get3A_327 = tpu.vector_load %arg6[%get3A_325, %get3A_326] {strides = array<i32>} : memref<50x128xf32, #tpu.memory_space<vmem>>, vector<1x16xf32>,
      %get3A_328 = vector.shape_cast %get3A_327 : vector<1x16xf32> to vector<16xf32>
      %get3A_329 = arith.index_cast %add3A_297 : i32 to index
      %get3A_330 = arith.constant 96 : index
      %get3A_331 = tpu.vector_load %arg6[%get3A_329, %get3A_330] {strides = array<i32>} : memref<50x128xf32, #tpu.memory_space<vmem>>, vector<1x16xf32>,
      %get3A_332 = vector.shape_cast %get3A_331 : vector<1x16xf32> to vector<16xf32>
      %get3A_333 = arith.index_cast %add3A_297 : i32 to index
      %get3A_334 = arith.constant 112 : index
      %get3A_335 = tpu.vector_load %arg6[%get3A_333, %get3A_334] {strides = array<i32>} : memref<50x128xf32, #tpu.memory_space<vmem>>, vector<1x16xf32>,
      %get3A_336 = vector.shape_cast %get3A_335 : vector<1x16xf32> to vector<16xf32>
      %parallel_loop3A_337 = arith.constant 0 : i32
      %parallel_loop3A_338 = arith.constant 200 : i32
      %parallel_loop3A_339 = arith.constant 1 : i32
      scf.for %parallel_loop3A_361 = %parallel_loop3A_337 to %parallel_loop3A_338 step %parallel_loop3A_339  : i32 {
        %parallel_loop3A_362 = arith.index_cast %parallel_loop3A_361 : i32 to index
        %parallel_loop3A_363 = arith.constant 0 : index
        %parallel_loop3A_364 = tpu.vector_load %arg7[%parallel_loop3A_362, %parallel_loop3A_363] {strides = array<i32>} : memref<200x128xf32, #tpu.memory_space<vmem>>, vector<1x16xf32>,
        %parallel_loop3A_365 = vector.shape_cast %parallel_loop3A_364 : vector<1x16xf32> to vector<16xf32>
        %parallel_loop3A_366 = arith.addf %parallel_loop3A_365, %get3A_308 : vector<16xf32>
        %parallel_loop3A_367 = arith.index_cast %parallel_loop3A_361 : i32 to index
        %parallel_loop3A_368 = arith.constant 0 : index
        %parallel_loop3A_369 = tpu.vector_load %arg10[%parallel_loop3A_367, %parallel_loop3A_368] {strides = array<i32>} : memref<200x128xf32, #tpu.memory_space<vmem>>, vector<1x16xf32>,
        %parallel_loop3A_370 = vector.shape_cast %parallel_loop3A_369 : vector<1x16xf32> to vector<16xf32>
        %parallel_loop3A_371 = vector.shape_cast %parallel_loop3A_366 : vector<16xf32> to vector<1x16xf32>
        tpu.vector_store %arg10[%parallel_loop3A_367, %parallel_loop3A_368], %parallel_loop3A_371 {add = true, strides = array<i32>} : memref<200x128xf32, #tpu.memory_space<vmem>>, vector<1x16xf32>,
        %parallel_loop3A_372 = arith.index_cast %parallel_loop3A_361 : i32 to index
        %parallel_loop3A_373 = arith.constant 16 : index
        %parallel_loop3A_374 = tpu.vector_load %arg7[%parallel_loop3A_372, %parallel_loop3A_373] {strides = array<i32>} : memref<200x128xf32, #tpu.memory_space<vmem>>, vector<1x16xf32>,
        %parallel_loop3A_375 = vector.shape_cast %parallel_loop3A_374 : vector<1x16xf32> to vector<16xf32>
        %parallel_loop3A_376 = arith.addf %parallel_loop3A_375, %get3A_312 : vector<16xf32>
        %parallel_loop3A_377 = arith.index_cast %parallel_loop3A_361 : i32 to index
        %parallel_loop3A_378 = arith.constant 16 : index
        %parallel_loop3A_379 = tpu.vector_load %arg10[%parallel_loop3A_377, %parallel_loop3A_378] {strides = array<i32>} : memref<200x128xf32, #tpu.memory_space<vmem>>, vector<1x16xf32>,
        %parallel_loop3A_380 = vector.shape_cast %parallel_loop3A_379 : vector<1x16xf32> to vector<16xf32>
        %parallel_loop3A_381 = vector.shape_cast %parallel_loop3A_376 : vector<16xf32> to vector<1x16xf32>
        tpu.vector_store %arg10[%parallel_loop3A_377, %parallel_loop3A_378], %parallel_loop3A_381 {add = true, strides = array<i32>} : memref<200x128xf32, #tpu.memory_space<vmem>>, vector<1x16xf32>,
        %parallel_loop3A_382 = arith.index_cast %parallel_loop3A_361 : i32 to index
        %parallel_loop3A_383 = arith.constant 32 : index
        %parallel_loop3A_384 = tpu.vector_load %arg7[%parallel_loop3A_382, %parallel_loop3A_383] {strides = array<i32>} : memref<200x128xf32, #tpu.memory_space<vmem>>, vector<1x16xf32>,
        %parallel_loop3A_385 = vector.shape_cast %parallel_loop3A_384 : vector<1x16xf32> to vector<16xf32>
        %parallel_loop3A_386 = arith.addf %parallel_loop3A_385, %get3A_316 : vector<16xf32>
        %parallel_loop3A_387 = arith.index_cast %parallel_loop3A_361 : i32 to index
        %parallel_loop3A_388 = arith.constant 32 : index
        %parallel_loop3A_389 = tpu.vector_load %arg10[%parallel_loop3A_387, %parallel_loop3A_388] {strides = array<i32>} : memref<200x128xf32, #tpu.memory_space<vmem>>, vector<1x16xf32>,
        %parallel_loop3A_390 = vector.shape_cast %parallel_loop3A_389 : vector<1x16xf32> to vector<16xf32>
        %parallel_loop3A_391 = vector.shape_cast %parallel_loop3A_386 : vector<16xf32> to vector<1x16xf32>
        tpu.vector_store %arg10[%parallel_loop3A_387, %parallel_loop3A_388], %parallel_loop3A_391 {add = true, strides = array<i32>} : memref<200x128xf32, #tpu.memory_space<vmem>>, vector<1x16xf32>,
        %parallel_loop3A_392 = arith.index_cast %parallel_loop3A_361 : i32 to index
        %parallel_loop3A_393 = arith.constant 48 : index
        %parallel_loop3A_394 = tpu.vector_load %arg7[%parallel_loop3A_392, %parallel_loop3A_393] {strides = array<i32>} : memref<200x128xf32, #tpu.memory_space<vmem>>, vector<1x16xf32>,
        %parallel_loop3A_395 = vector.shape_cast %parallel_loop3A_394 : vector<1x16xf32> to vector<16xf32>
        %parallel_loop3A_396 = arith.addf %parallel_loop3A_395, %get3A_320 : vector<16xf32>
        %parallel_loop3A_397 = arith.index_cast %parallel_loop3A_361 : i32 to index
        %parallel_loop3A_398 = arith.constant 48 : index
        %parallel_loop3A_399 = tpu.vector_load %arg10[%parallel_loop3A_397, %parallel_loop3A_398] {strides = array<i32>} : memref<200x128xf32, #tpu.memory_space<vmem>>, vector<1x16xf32>,
        %parallel_loop3A_400 = vector.shape_cast %parallel_loop3A_399 : vector<1x16xf32> to vector<16xf32>
        %parallel_loop3A_401 = vector.shape_cast %parallel_loop3A_396 : vector<16xf32> to vector<1x16xf32>
        tpu.vector_store %arg10[%parallel_loop3A_397, %parallel_loop3A_398], %parallel_loop3A_401 {add = true, strides = array<i32>} : memref<200x128xf32, #tpu.memory_space<vmem>>, vector<1x16xf32>,
        %parallel_loop3A_402 = arith.index_cast %parallel_loop3A_361 : i32 to index
        %parallel_loop3A_403 = arith.constant 64 : index
        %parallel_loop3A_404 = tpu.vector_load %arg7[%parallel_loop3A_402, %parallel_loop3A_403] {strides = array<i32>} : memref<200x128xf32, #tpu.memory_space<vmem>>, vector<1x16xf32>,
        %parallel_loop3A_405 = vector.shape_cast %parallel_loop3A_404 : vector<1x16xf32> to vector<16xf32>
        %parallel_loop3A_406 = arith.addf %parallel_loop3A_405, %get3A_324 : vector<16xf32>
        %parallel_loop3A_407 = arith.index_cast %parallel_loop3A_361 : i32 to index
        %parallel_loop3A_408 = arith.constant 64 : index
        %parallel_loop3A_409 = tpu.vector_load %arg10[%parallel_loop3A_407, %parallel_loop3A_408] {strides = array<i32>} : memref<200x128xf32, #tpu.memory_space<vmem>>, vector<1x16xf32>,
        %parallel_loop3A_410 = vector.shape_cast %parallel_loop3A_409 : vector<1x16xf32> to vector<16xf32>
        %parallel_loop3A_411 = vector.shape_cast %parallel_loop3A_406 : vector<16xf32> to vector<1x16xf32>
        tpu.vector_store %arg10[%parallel_loop3A_407, %parallel_loop3A_408], %parallel_loop3A_411 {add = true, strides = array<i32>} : memref<200x128xf32, #tpu.memory_space<vmem>>, vector<1x16xf32>,
        %parallel_loop3A_412 = arith.index_cast %parallel_loop3A_361 : i32 to index
        %parallel_loop3A_413 = arith.constant 80 : index
        %parallel_loop3A_414 = tpu.vector_load %arg7[%parallel_loop3A_412, %parallel_loop3A_413] {strides = array<i32>} : memref<200x128xf32, #tpu.memory_space<vmem>>, vector<1x16xf32>,
        %parallel_loop3A_415 = vector.shape_cast %parallel_loop3A_414 : vector<1x16xf32> to vector<16xf32>
        %parallel_loop3A_416 = arith.addf %parallel_loop3A_415, %get3A_328 : vector<16xf32>
        %parallel_loop3A_417 = arith.index_cast %parallel_loop3A_361 : i32 to index
        %parallel_loop3A_418 = arith.constant 80 : index
        %parallel_loop3A_419 = tpu.vector_load %arg10[%parallel_loop3A_417, %parallel_loop3A_418] {strides = array<i32>} : memref<200x128xf32, #tpu.memory_space<vmem>>, vector<1x16xf32>,
        %parallel_loop3A_420 = vector.shape_cast %parallel_loop3A_419 : vector<1x16xf32> to vector<16xf32>
        %parallel_loop3A_421 = vector.shape_cast %parallel_loop3A_416 : vector<16xf32> to vector<1x16xf32>
        tpu.vector_store %arg10[%parallel_loop3A_417, %parallel_loop3A_418], %parallel_loop3A_421 {add = true, strides = array<i32>} : memref<200x128xf32, #tpu.memory_space<vmem>>, vector<1x16xf32>,
        %parallel_loop3A_422 = arith.index_cast %parallel_loop3A_361 : i32 to index
        %parallel_loop3A_423 = arith.constant 96 : index
        %parallel_loop3A_424 = tpu.vector_load %arg7[%parallel_loop3A_422, %parallel_loop3A_423] {strides = array<i32>} : memref<200x128xf32, #tpu.memory_space<vmem>>, vector<1x16xf32>,
        %parallel_loop3A_425 = vector.shape_cast %parallel_loop3A_424 : vector<1x16xf32> to vector<16xf32>
        %parallel_loop3A_426 = arith.addf %parallel_loop3A_425, %get3A_332 : vector<16xf32>
        %parallel_loop3A_427 = arith.index_cast %parallel_loop3A_361 : i32 to index
        %parallel_loop3A_428 = arith.constant 96 : index
        %parallel_loop3A_429 = tpu.vector_load %arg10[%parallel_loop3A_427, %parallel_loop3A_428] {strides = array<i32>} : memref<200x128xf32, #tpu.memory_space<vmem>>, vector<1x16xf32>,
        %parallel_loop3A_430 = vector.shape_cast %parallel_loop3A_429 : vector<1x16xf32> to vector<16xf32>
        %parallel_loop3A_431 = vector.shape_cast %parallel_loop3A_426 : vector<16xf32> to vector<1x16xf32>
        tpu.vector_store %arg10[%parallel_loop3A_427, %parallel_loop3A_428], %parallel_loop3A_431 {add = true, strides = array<i32>} : memref<200x128xf32, #tpu.memory_space<vmem>>, vector<1x16xf32>,
        %parallel_loop3A_432 = arith.index_cast %parallel_loop3A_361 : i32 to index
        %parallel_loop3A_433 = arith.constant 112 : index
        %parallel_loop3A_434 = tpu.vector_load %arg7[%parallel_loop3A_432, %parallel_loop3A_433] {strides = array<i32>} : memref<200x128xf32, #tpu.memory_space<vmem>>, vector<1x16xf32>,
        %parallel_loop3A_435 = vector.shape_cast %parallel_loop3A_434 : vector<1x16xf32> to vector<16xf32>
        %parallel_loop3A_436 = arith.addf %parallel_loop3A_435, %get3A_336 : vector<16xf32>
        %parallel_loop3A_437 = arith.index_cast %parallel_loop3A_361 : i32 to index
        %parallel_loop3A_438 = arith.constant 112 : index
        %parallel_loop3A_439 = tpu.vector_load %arg10[%parallel_loop3A_437, %parallel_loop3A_438] {strides = array<i32>} : memref<200x128xf32, #tpu.memory_space<vmem>>, vector<1x16xf32>,
        %parallel_loop3A_440 = vector.shape_cast %parallel_loop3A_439 : vector<1x16xf32> to vector<16xf32>
        %parallel_loop3A_441 = vector.shape_cast %parallel_loop3A_436 : vector<16xf32> to vector<1x16xf32>
        tpu.vector_store %arg10[%parallel_loop3A_437, %parallel_loop3A_438], %parallel_loop3A_441 {add = true, strides = array<i32>} : memref<200x128xf32, #tpu.memory_space<vmem>>, vector<1x16xf32>,
      } {sc.loop_unroll_factor = 4 : i64, sc.parallel_access}
      %add3A_340 = arith.addi %mul3A_2, %add3A_297 : i32
      %mul3A_341 = arith.constant 200 : i32
      %mul3A_342 = arith.muli %add3A_340, %mul3A_341 : i32
      %dma_start3A_343 = arith.constant 0 : i32
      %dma_start3A_344 = tpu.memref_slice %arg5[%mul3A_342, %dma_start3A_343] : memref<320000x128xf32, #tpu.memory_space<hbm>> -> memref<200x128xf32, #tpu.memory_space<hbm>>
      %dma_start3A_345 = arith.constant 0 : i32
      %dma_start3A_346 = tpu.memref_slice %arg5[%mul3A_342, %dma_start3A_345] : memref<320000x128xf32, #tpu.memory_space<hbm>> -> memref<200x128xf32, #tpu.memory_space<hbm>>
      tpu.enqueue_dma source(%arg10 : memref<200x128xf32, #tpu.memory_space<vmem>>) target(%dma_start3A_346 : memref<200x128xf32, #tpu.memory_space<hbm>>) target_semaphore(%arg16 : memref<!tpu.dma_semaphore, #tpu.memory_space<semaphore_mem>>)
      %ge3A_347 = arith.constant 1 : i32
      %ge3A_348 = arith.cmpi sge, %add3A_297, %ge3A_347 : i32
      %convert_element_type3A_349 = arith.extui %ge3A_348 : i1 to i32
      %cond3A_350 = arith.constant 0 : i32
      %cond3A_351 = arith.cmpi ne, %convert_element_type3A_349, %cond3A_350 : i32
      scf.if %cond3A_351 {
        %sub3A = arith.constant 1 : i32
        %sub3A_361 = arith.subi %add3A_297, %sub3A : i32
        %add3A_362 = arith.addi %mul3A_2, %sub3A_361 : i32
        %mul3A_363 = arith.constant 200 : i32
        %mul3A_364 = arith.muli %add3A_362, %mul3A_363 : i32
        %dma_wait3A_365 = arith.constant 0 : i32
        %dma_wait3A_366 = tpu.memref_slice %arg5[%mul3A_364, %dma_wait3A_365] : memref<320000x128xf32, #tpu.memory_space<hbm>> -> memref<200x128xf32, #tpu.memory_space<hbm>>
        %dma_wait3A_367 = arith.constant 0 : i32
        %dma_wait3A_368 = tpu.memref_slice %arg5[%mul3A_364, %dma_wait3A_367] : memref<320000x128xf32, #tpu.memory_space<hbm>> -> memref<200x128xf32, #tpu.memory_space<hbm>>
        tpu.wait_dma2 semaphore(%arg15 : memref<!tpu.dma_semaphore, #tpu.memory_space<semaphore_mem>>) src(%arg9 : memref<200x128xf32, #tpu.memory_space<vmem>>) dst(%dma_wait3A_368 : memref<200x128xf32, #tpu.memory_space<hbm>>)
      } else {
      }
      %add3A_352 = arith.constant 2 : i32
      %add3A_353 = arith.addi %add3A_297, %add3A_352 : i32
      %add3A_354 = arith.addi %mul3A_2, %add3A_353 : i32
      %mul3A_355 = arith.constant 200 : i32
      %mul3A_356 = arith.muli %add3A_354, %mul3A_355 : i32
      %dma_start3A_357 = arith.constant 0 : i32
      %dma_start3A_358 = tpu.memref_slice %arg2[%mul3A_356, %dma_start3A_357] : memref<320000x128xf32, #tpu.memory_space<hbm>> -> memref<200x128xf32, #tpu.memory_space<hbm>>
      %dma_start3A_359 = arith.constant 0 : i32
      %dma_start3A_360 = tpu.memref_slice %arg2[%mul3A_356, %dma_start3A_359] : memref<320000x128xf32, #tpu.memory_space<hbm>> -> memref<200x128xf32, #tpu.memory_space<hbm>>
      tpu.enqueue_dma source(%dma_start3A_360 : memref<200x128xf32, #tpu.memory_space<hbm>>) target(%arg9 : memref<200x128xf32, #tpu.memory_space<vmem>>) target_semaphore(%arg12 : memref<!tpu.dma_semaphore, #tpu.memory_space<semaphore_mem>>)
    }
    %scan3A_22 = arith.constant 16 : i32
    %add3A_23 = arith.constant 48 : i32
    %add3A_24 = arith.addi %mul3A_2, %add3A_23 : i32
    %mul3A_25 = arith.constant 200 : i32
    %mul3A_26 = arith.muli %add3A_24, %mul3A_25 : i32
    %dma_wait3A = arith.constant 0 : i32
    %dma_wait3A_27 = tpu.memref_slice %arg2[%mul3A_26, %dma_wait3A] : memref<320000x128xf32, #tpu.memory_space<hbm>> -> memref<200x128xf32, #tpu.memory_space<hbm>>
    %dma_wait3A_28 = arith.constant 0 : i32
    %dma_wait3A_29 = tpu.memref_slice %arg2[%mul3A_26, %dma_wait3A_28] : memref<320000x128xf32, #tpu.memory_space<hbm>> -> memref<200x128xf32, #tpu.memory_space<hbm>>
    tpu.wait_dma2 semaphore(%arg11 : memref<!tpu.dma_semaphore, #tpu.memory_space<semaphore_mem>>) src(%dma_wait3A_29 : memref<200x128xf32, #tpu.memory_space<hbm>>) dst(%arg8 : memref<200x128xf32, #tpu.memory_space<vmem>>)
    %get3A = arith.constant 48 : i32
    %get3A_30 = arith.index_cast %get3A : i32 to index
    %get3A_31 = arith.constant 0 : index
    %get3A_32 = tpu.vector_load %arg6[%get3A_30, %get3A_31] {strides = array<i32>} : memref<50x128xf32, #tpu.memory_space<vmem>>, vector<1x16xf32>,
    %get3A_33 = vector.shape_cast %get3A_32 : vector<1x16xf32> to vector<16xf32>
    %get3A_34 = arith.constant 48 : i32
    %get3A_35 = arith.index_cast %get3A_34 : i32 to index
    %get3A_36 = arith.constant 16 : index
    %get3A_37 = tpu.vector_load %arg6[%get3A_35, %get3A_36] {strides = array<i32>} : memref<50x128xf32, #tpu.memory_space<vmem>>, vector<1x16xf32>,
    %get3A_38 = vector.shape_cast %get3A_37 : vector<1x16xf32> to vector<16xf32>
    %get3A_39 = arith.constant 48 : i32
    %get3A_40 = arith.index_cast %get3A_39 : i32 to index
    %get3A_41 = arith.constant 32 : index
    %get3A_42 = tpu.vector_load %arg6[%get3A_40, %get3A_41] {strides = array<i32>} : memref<50x128xf32, #tpu.memory_space<vmem>>, vector<1x16xf32>,
    %get3A_43 = vector.shape_cast %get3A_42 : vector<1x16xf32> to vector<16xf32>
    %get3A_44 = arith.constant 48 : i32
    %get3A_45 = arith.index_cast %get3A_44 : i32 to index
    %get3A_46 = arith.constant 48 : index
    %get3A_47 = tpu.vector_load %arg6[%get3A_45, %get3A_46] {strides = array<i32>} : memref<50x128xf32, #tpu.memory_space<vmem>>, vector<1x16xf32>,
    %get3A_48 = vector.shape_cast %get3A_47 : vector<1x16xf32> to vector<16xf32>
    %get3A_49 = arith.constant 48 : i32
    %get3A_50 = arith.index_cast %get3A_49 : i32 to index
    %get3A_51 = arith.constant 64 : index
    %get3A_52 = tpu.vector_load %arg6[%get3A_50, %get3A_51] {strides = array<i32>} : memref<50x128xf32, #tpu.memory_space<vmem>>, vector<1x16xf32>,
    %get3A_53 = vector.shape_cast %get3A_52 : vector<1x16xf32> to vector<16xf32>
    %get3A_54 = arith.constant 48 : i32
    %get3A_55 = arith.index_cast %get3A_54 : i32 to index
    %get3A_56 = arith.constant 80 : index
    %get3A_57 = tpu.vector_load %arg6[%get3A_55, %get3A_56] {strides = array<i32>} : memref<50x128xf32, #tpu.memory_space<vmem>>, vector<1x16xf32>,
    %get3A_58 = vector.shape_cast %get3A_57 : vector<1x16xf32> to vector<16xf32>
    %get3A_59 = arith.constant 48 : i32
    %get3A_60 = arith.index_cast %get3A_59 : i32 to index
    %get3A_61 = arith.constant 96 : index
    %get3A_62 = tpu.vector_load %arg6[%get3A_60, %get3A_61] {strides = array<i32>} : memref<50x128xf32, #tpu.memory_space<vmem>>, vector<1x16xf32>,
    %get3A_63 = vector.shape_cast %get3A_62 : vector<1x16xf32> to vector<16xf32>
    %get3A_64 = arith.constant 48 : i32
    %get3A_65 = arith.index_cast %get3A_64 : i32 to index
    %get3A_66 = arith.constant 112 : index
    %get3A_67 = tpu.vector_load %arg6[%get3A_65, %get3A_66] {strides = array<i32>} : memref<50x128xf32, #tpu.memory_space<vmem>>, vector<1x16xf32>,
    %get3A_68 = vector.shape_cast %get3A_67 : vector<1x16xf32> to vector<16xf32>
    %parallel_loop3A = arith.constant 0 : i32
    %parallel_loop3A_69 = arith.constant 200 : i32
    %parallel_loop3A_70 = arith.constant 1 : i32
    scf.for %parallel_loop3A_162 = %parallel_loop3A to %parallel_loop3A_69 step %parallel_loop3A_70  : i32 {
      %parallel_loop3A_163 = arith.index_cast %parallel_loop3A_162 : i32 to index
      %parallel_loop3A_164 = arith.constant 0 : index
      %parallel_loop3A_165 = tpu.vector_load %arg7[%parallel_loop3A_163, %parallel_loop3A_164] {strides = array<i32>} : memref<200x128xf32, #tpu.memory_space<vmem>>, vector<1x16xf32>,
      %parallel_loop3A_166 = vector.shape_cast %parallel_loop3A_165 : vector<1x16xf32> to vector<16xf32>
      %parallel_loop3A_167 = arith.addf %parallel_loop3A_166, %get3A_33 : vector<16xf32>
      %parallel_loop3A_168 = arith.index_cast %parallel_loop3A_162 : i32 to index
      %parallel_loop3A_169 = arith.constant 0 : index
      %parallel_loop3A_170 = tpu.vector_load %arg8[%parallel_loop3A_168, %parallel_loop3A_169] {strides = array<i32>} : memref<200x128xf32, #tpu.memory_space<vmem>>, vector<1x16xf32>,
      %parallel_loop3A_171 = vector.shape_cast %parallel_loop3A_170 : vector<1x16xf32> to vector<16xf32>
      %parallel_loop3A_172 = vector.shape_cast %parallel_loop3A_167 : vector<16xf32> to vector<1x16xf32>
      tpu.vector_store %arg8[%parallel_loop3A_168, %parallel_loop3A_169], %parallel_loop3A_172 {add = true, strides = array<i32>} : memref<200x128xf32, #tpu.memory_space<vmem>>, vector<1x16xf32>,
      %parallel_loop3A_173 = arith.index_cast %parallel_loop3A_162 : i32 to index
      %parallel_loop3A_174 = arith.constant 16 : index
      %parallel_loop3A_175 = tpu.vector_load %arg7[%parallel_loop3A_173, %parallel_loop3A_174] {strides = array<i32>} : memref<200x128xf32, #tpu.memory_space<vmem>>, vector<1x16xf32>,
      %parallel_loop3A_176 = vector.shape_cast %parallel_loop3A_175 : vector<1x16xf32> to vector<16xf32>
      %parallel_loop3A_177 = arith.addf %parallel_loop3A_176, %get3A_38 : vector<16xf32>
      %parallel_loop3A_178 = arith.index_cast %parallel_loop3A_162 : i32 to index
      %parallel_loop3A_179 = arith.constant 16 : index
      %parallel_loop3A_180 = tpu.vector_load %arg8[%parallel_loop3A_178, %parallel_loop3A_179] {strides = array<i32>} : memref<200x128xf32, #tpu.memory_space<vmem>>, vector<1x16xf32>,
      %parallel_loop3A_181 = vector.shape_cast %parallel_loop3A_180 : vector<1x16xf32> to vector<16xf32>
      %parallel_loop3A_182 = vector.shape_cast %parallel_loop3A_177 : vector<16xf32> to vector<1x16xf32>
      tpu.vector_store %arg8[%parallel_loop3A_178, %parallel_loop3A_179], %parallel_loop3A_182 {add = true, strides = array<i32>} : memref<200x128xf32, #tpu.memory_space<vmem>>, vector<1x16xf32>,
      %parallel_loop3A_183 = arith.index_cast %parallel_loop3A_162 : i32 to index
      %parallel_loop3A_184 = arith.constant 32 : index
      %parallel_loop3A_185 = tpu.vector_load %arg7[%parallel_loop3A_183, %parallel_loop3A_184] {strides = array<i32>} : memref<200x128xf32, #tpu.memory_space<vmem>>, vector<1x16xf32>,
      %parallel_loop3A_186 = vector.shape_cast %parallel_loop3A_185 : vector<1x16xf32> to vector<16xf32>
      %parallel_loop3A_187 = arith.addf %parallel_loop3A_186, %get3A_43 : vector<16xf32>
      %parallel_loop3A_188 = arith.index_cast %parallel_loop3A_162 : i32 to index
      %parallel_loop3A_189 = arith.constant 32 : index
      %parallel_loop3A_190 = tpu.vector_load %arg8[%parallel_loop3A_188, %parallel_loop3A_189] {strides = array<i32>} : memref<200x128xf32, #tpu.memory_space<vmem>>, vector<1x16xf32>,
      %parallel_loop3A_191 = vector.shape_cast %parallel_loop3A_190 : vector<1x16xf32> to vector<16xf32>
      %parallel_loop3A_192 = vector.shape_cast %parallel_loop3A_187 : vector<16xf32> to vector<1x16xf32>
      tpu.vector_store %arg8[%parallel_loop3A_188, %parallel_loop3A_189], %parallel_loop3A_192 {add = true, strides = array<i32>} : memref<200x128xf32, #tpu.memory_space<vmem>>, vector<1x16xf32>,
      %parallel_loop3A_193 = arith.index_cast %parallel_loop3A_162 : i32 to index
      %parallel_loop3A_194 = arith.constant 48 : index
      %parallel_loop3A_195 = tpu.vector_load %arg7[%parallel_loop3A_193, %parallel_loop3A_194] {strides = array<i32>} : memref<200x128xf32, #tpu.memory_space<vmem>>, vector<1x16xf32>,
      %parallel_loop3A_196 = vector.shape_cast %parallel_loop3A_195 : vector<1x16xf32> to vector<16xf32>
      %parallel_loop3A_197 = arith.addf %parallel_loop3A_196, %get3A_48 : vector<16xf32>
      %parallel_loop3A_198 = arith.index_cast %parallel_loop3A_162 : i32 to index
      %parallel_loop3A_199 = arith.constant 48 : index
      %parallel_loop3A_200 = tpu.vector_load %arg8[%parallel_loop3A_198, %parallel_loop3A_199] {strides = array<i32>} : memref<200x128xf32, #tpu.memory_space<vmem>>, vector<1x16xf32>,
      %parallel_loop3A_201 = vector.shape_cast %parallel_loop3A_200 : vector<1x16xf32> to vector<16xf32>
      %parallel_loop3A_202 = vector.shape_cast %parallel_loop3A_197 : vector<16xf32> to vector<1x16xf32>
      tpu.vector_store %arg8[%parallel_loop3A_198, %parallel_loop3A_199], %parallel_loop3A_202 {add = true, strides = array<i32>} : memref<200x128xf32, #tpu.memory_space<vmem>>, vector<1x16xf32>,
      %parallel_loop3A_203 = arith.index_cast %parallel_loop3A_162 : i32 to index
      %parallel_loop3A_204 = arith.constant 64 : index
      %parallel_loop3A_205 = tpu.vector_load %arg7[%parallel_loop3A_203, %parallel_loop3A_204] {strides = array<i32>} : memref<200x128xf32, #tpu.memory_space<vmem>>, vector<1x16xf32>,
      %parallel_loop3A_206 = vector.shape_cast %parallel_loop3A_205 : vector<1x16xf32> to vector<16xf32>
      %parallel_loop3A_207 = arith.addf %parallel_loop3A_206, %get3A_53 : vector<16xf32>
      %parallel_loop3A_208 = arith.index_cast %parallel_loop3A_162 : i32 to index
      %parallel_loop3A_209 = arith.constant 64 : index
      %parallel_loop3A_210 = tpu.vector_load %arg8[%parallel_loop3A_208, %parallel_loop3A_209] {strides = array<i32>} : memref<200x128xf32, #tpu.memory_space<vmem>>, vector<1x16xf32>,
      %parallel_loop3A_211 = vector.shape_cast %parallel_loop3A_210 : vector<1x16xf32> to vector<16xf32>
      %parallel_loop3A_212 = vector.shape_cast %parallel_loop3A_207 : vector<16xf32> to vector<1x16xf32>
      tpu.vector_store %arg8[%parallel_loop3A_208, %parallel_loop3A_209], %parallel_loop3A_212 {add = true, strides = array<i32>} : memref<200x128xf32, #tpu.memory_space<vmem>>, vector<1x16xf32>,
      %parallel_loop3A_213 = arith.index_cast %parallel_loop3A_162 : i32 to index
      %parallel_loop3A_214 = arith.constant 80 : index
      %parallel_loop3A_215 = tpu.vector_load %arg7[%parallel_loop3A_213, %parallel_loop3A_214] {strides = array<i32>} : memref<200x128xf32, #tpu.memory_space<vmem>>, vector<1x16xf32>,
      %parallel_loop3A_216 = vector.shape_cast %parallel_loop3A_215 : vector<1x16xf32> to vector<16xf32>
      %parallel_loop3A_217 = arith.addf %parallel_loop3A_216, %get3A_58 : vector<16xf32>
      %parallel_loop3A_218 = arith.index_cast %parallel_loop3A_162 : i32 to index
      %parallel_loop3A_219 = arith.constant 80 : index
      %parallel_loop3A_220 = tpu.vector_load %arg8[%parallel_loop3A_218, %parallel_loop3A_219] {strides = array<i32>} : memref<200x128xf32, #tpu.memory_space<vmem>>, vector<1x16xf32>,
      %parallel_loop3A_221 = vector.shape_cast %parallel_loop3A_220 : vector<1x16xf32> to vector<16xf32>
      %parallel_loop3A_222 = vector.shape_cast %parallel_loop3A_217 : vector<16xf32> to vector<1x16xf32>
      tpu.vector_store %arg8[%parallel_loop3A_218, %parallel_loop3A_219], %parallel_loop3A_222 {add = true, strides = array<i32>} : memref<200x128xf32, #tpu.memory_space<vmem>>, vector<1x16xf32>,
      %parallel_loop3A_223 = arith.index_cast %parallel_loop3A_162 : i32 to index
      %parallel_loop3A_224 = arith.constant 96 : index
      %parallel_loop3A_225 = tpu.vector_load %arg7[%parallel_loop3A_223, %parallel_loop3A_224] {strides = array<i32>} : memref<200x128xf32, #tpu.memory_space<vmem>>, vector<1x16xf32>,
      %parallel_loop3A_226 = vector.shape_cast %parallel_loop3A_225 : vector<1x16xf32> to vector<16xf32>
      %parallel_loop3A_227 = arith.addf %parallel_loop3A_226, %get3A_63 : vector<16xf32>
      %parallel_loop3A_228 = arith.index_cast %parallel_loop3A_162 : i32 to index
      %parallel_loop3A_229 = arith.constant 96 : index
      %parallel_loop3A_230 = tpu.vector_load %arg8[%parallel_loop3A_228, %parallel_loop3A_229] {strides = array<i32>} : memref<200x128xf32, #tpu.memory_space<vmem>>, vector<1x16xf32>,
      %parallel_loop3A_231 = vector.shape_cast %parallel_loop3A_230 : vector<1x16xf32> to vector<16xf32>
      %parallel_loop3A_232 = vector.shape_cast %parallel_loop3A_227 : vector<16xf32> to vector<1x16xf32>
      tpu.vector_store %arg8[%parallel_loop3A_228, %parallel_loop3A_229], %parallel_loop3A_232 {add = true, strides = array<i32>} : memref<200x128xf32, #tpu.memory_space<vmem>>, vector<1x16xf32>,
      %parallel_loop3A_233 = arith.index_cast %parallel_loop3A_162 : i32 to index
      %parallel_loop3A_234 = arith.constant 112 : index
      %parallel_loop3A_235 = tpu.vector_load %arg7[%parallel_loop3A_233, %parallel_loop3A_234] {strides = array<i32>} : memref<200x128xf32, #tpu.memory_space<vmem>>, vector<1x16xf32>,
      %parallel_loop3A_236 = vector.shape_cast %parallel_loop3A_235 : vector<1x16xf32> to vector<16xf32>
      %parallel_loop3A_237 = arith.addf %parallel_loop3A_236, %get3A_68 : vector<16xf32>
      %parallel_loop3A_238 = arith.index_cast %parallel_loop3A_162 : i32 to index
      %parallel_loop3A_239 = arith.constant 112 : index
      %parallel_loop3A_240 = tpu.vector_load %arg8[%parallel_loop3A_238, %parallel_loop3A_239] {strides = array<i32>} : memref<200x128xf32, #tpu.memory_space<vmem>>, vector<1x16xf32>,
      %parallel_loop3A_241 = vector.shape_cast %parallel_loop3A_240 : vector<1x16xf32> to vector<16xf32>
      %parallel_loop3A_242 = vector.shape_cast %parallel_loop3A_237 : vector<16xf32> to vector<1x16xf32>
      tpu.vector_store %arg8[%parallel_loop3A_238, %parallel_loop3A_239], %parallel_loop3A_242 {add = true, strides = array<i32>} : memref<200x128xf32, #tpu.memory_space<vmem>>, vector<1x16xf32>,
    } {sc.loop_unroll_factor = 4 : i64, sc.parallel_access}
    %add3A_71 = arith.constant 48 : i32
    %add3A_72 = arith.addi %mul3A_2, %add3A_71 : i32
    %mul3A_73 = arith.constant 200 : i32
    %mul3A_74 = arith.muli %add3A_72, %mul3A_73 : i32
    %dma_start3A_75 = arith.constant 0 : i32
    %dma_start3A_76 = tpu.memref_slice %arg5[%mul3A_74, %dma_start3A_75] : memref<320000x128xf32, #tpu.memory_space<hbm>> -> memref<200x128xf32, #tpu.memory_space<hbm>>
    %dma_start3A_77 = arith.constant 0 : i32
    %dma_start3A_78 = tpu.memref_slice %arg5[%mul3A_74, %dma_start3A_77] : memref<320000x128xf32, #tpu.memory_space<hbm>> -> memref<200x128xf32, #tpu.memory_space<hbm>>
    tpu.enqueue_dma source(%arg8 : memref<200x128xf32, #tpu.memory_space<vmem>>) target(%dma_start3A_78 : memref<200x128xf32, #tpu.memory_space<hbm>>) target_semaphore(%arg14 : memref<!tpu.dma_semaphore, #tpu.memory_space<semaphore_mem>>)
    %add3A_79 = arith.constant 49 : i32
    %add3A_80 = arith.addi %mul3A_2, %add3A_79 : i32
    %mul3A_81 = arith.constant 200 : i32
    %mul3A_82 = arith.muli %add3A_80, %mul3A_81 : i32
    %dma_wait3A_83 = arith.constant 0 : i32
    %dma_wait3A_84 = tpu.memref_slice %arg2[%mul3A_82, %dma_wait3A_83] : memref<320000x128xf32, #tpu.memory_space<hbm>> -> memref<200x128xf32, #tpu.memory_space<hbm>>
    %dma_wait3A_85 = arith.constant 0 : i32
    %dma_wait3A_86 = tpu.memref_slice %arg2[%mul3A_82, %dma_wait3A_85] : memref<320000x128xf32, #tpu.memory_space<hbm>> -> memref<200x128xf32, #tpu.memory_space<hbm>>
    tpu.wait_dma2 semaphore(%arg12 : memref<!tpu.dma_semaphore, #tpu.memory_space<semaphore_mem>>) src(%dma_wait3A_86 : memref<200x128xf32, #tpu.memory_space<hbm>>) dst(%arg9 : memref<200x128xf32, #tpu.memory_space<vmem>>)
    %get3A_87 = arith.constant 49 : i32
    %get3A_88 = arith.index_cast %get3A_87 : i32 to index
    %get3A_89 = arith.constant 0 : index
    %get3A_90 = tpu.vector_load %arg6[%get3A_88, %get3A_89] {strides = array<i32>} : memref<50x128xf32, #tpu.memory_space<vmem>>, vector<1x16xf32>,
    %get3A_91 = vector.shape_cast %get3A_90 : vector<1x16xf32> to vector<16xf32>
    %get3A_92 = arith.constant 49 : i32
    %get3A_93 = arith.index_cast %get3A_92 : i32 to index
    %get3A_94 = arith.constant 16 : index
    %get3A_95 = tpu.vector_load %arg6[%get3A_93, %get3A_94] {strides = array<i32>} : memref<50x128xf32, #tpu.memory_space<vmem>>, vector<1x16xf32>,
    %get3A_96 = vector.shape_cast %get3A_95 : vector<1x16xf32> to vector<16xf32>
    %get3A_97 = arith.constant 49 : i32
    %get3A_98 = arith.index_cast %get3A_97 : i32 to index
    %get3A_99 = arith.constant 32 : index
    %get3A_100 = tpu.vector_load %arg6[%get3A_98, %get3A_99] {strides = array<i32>} : memref<50x128xf32, #tpu.memory_space<vmem>>, vector<1x16xf32>,
    %get3A_101 = vector.shape_cast %get3A_100 : vector<1x16xf32> to vector<16xf32>
    %get3A_102 = arith.constant 49 : i32
    %get3A_103 = arith.index_cast %get3A_102 : i32 to index
    %get3A_104 = arith.constant 48 : index
    %get3A_105 = tpu.vector_load %arg6[%get3A_103, %get3A_104] {strides = array<i32>} : memref<50x128xf32, #tpu.memory_space<vmem>>, vector<1x16xf32>,
    %get3A_106 = vector.shape_cast %get3A_105 : vector<1x16xf32> to vector<16xf32>
    %get3A_107 = arith.constant 49 : i32
    %get3A_108 = arith.index_cast %get3A_107 : i32 to index
    %get3A_109 = arith.constant 64 : index
    %get3A_110 = tpu.vector_load %arg6[%get3A_108, %get3A_109] {strides = array<i32>} : memref<50x128xf32, #tpu.memory_space<vmem>>, vector<1x16xf32>,
    %get3A_111 = vector.shape_cast %get3A_110 : vector<1x16xf32> to vector<16xf32>
    %get3A_112 = arith.constant 49 : i32
    %get3A_113 = arith.index_cast %get3A_112 : i32 to index
    %get3A_114 = arith.constant 80 : index
    %get3A_115 = tpu.vector_load %arg6[%get3A_113, %get3A_114] {strides = array<i32>} : memref<50x128xf32, #tpu.memory_space<vmem>>, vector<1x16xf32>,
    %get3A_116 = vector.shape_cast %get3A_115 : vector<1x16xf32> to vector<16xf32>
    %get3A_117 = arith.constant 49 : i32
    %get3A_118 = arith.index_cast %get3A_117 : i32 to index
    %get3A_119 = arith.constant 96 : index
    %get3A_120 = tpu.vector_load %arg6[%get3A_118, %get3A_119] {strides = array<i32>} : memref<50x128xf32, #tpu.memory_space<vmem>>, vector<1x16xf32>,
    %get3A_121 = vector.shape_cast %get3A_120 : vector<1x16xf32> to vector<16xf32>
    %get3A_122 = arith.constant 49 : i32
    %get3A_123 = arith.index_cast %get3A_122 : i32 to index
    %get3A_124 = arith.constant 112 : index
    %get3A_125 = tpu.vector_load %arg6[%get3A_123, %get3A_124] {strides = array<i32>} : memref<50x128xf32, #tpu.memory_space<vmem>>, vector<1x16xf32>,
    %get3A_126 = vector.shape_cast %get3A_125 : vector<1x16xf32> to vector<16xf32>
    %parallel_loop3A_127 = arith.constant 0 : i32
    %parallel_loop3A_128 = arith.constant 200 : i32
    %parallel_loop3A_129 = arith.constant 1 : i32
    scf.for %parallel_loop3A_162 = %parallel_loop3A_127 to %parallel_loop3A_128 step %parallel_loop3A_129  : i32 {
      %parallel_loop3A_163 = arith.index_cast %parallel_loop3A_162 : i32 to index
      %parallel_loop3A_164 = arith.constant 0 : index
      %parallel_loop3A_165 = tpu.vector_load %arg7[%parallel_loop3A_163, %parallel_loop3A_164] {strides = array<i32>} : memref<200x128xf32, #tpu.memory_space<vmem>>, vector<1x16xf32>,
      %parallel_loop3A_166 = vector.shape_cast %parallel_loop3A_165 : vector<1x16xf32> to vector<16xf32>
      %parallel_loop3A_167 = arith.addf %parallel_loop3A_166, %get3A_91 : vector<16xf32>
      %parallel_loop3A_168 = arith.index_cast %parallel_loop3A_162 : i32 to index
      %parallel_loop3A_169 = arith.constant 0 : index
      %parallel_loop3A_170 = tpu.vector_load %arg9[%parallel_loop3A_168, %parallel_loop3A_169] {strides = array<i32>} : memref<200x128xf32, #tpu.memory_space<vmem>>, vector<1x16xf32>,
      %parallel_loop3A_171 = vector.shape_cast %parallel_loop3A_170 : vector<1x16xf32> to vector<16xf32>
      %parallel_loop3A_172 = vector.shape_cast %parallel_loop3A_167 : vector<16xf32> to vector<1x16xf32>
      tpu.vector_store %arg9[%parallel_loop3A_168, %parallel_loop3A_169], %parallel_loop3A_172 {add = true, strides = array<i32>} : memref<200x128xf32, #tpu.memory_space<vmem>>, vector<1x16xf32>,
      %parallel_loop3A_173 = arith.index_cast %parallel_loop3A_162 : i32 to index
      %parallel_loop3A_174 = arith.constant 16 : index
      %parallel_loop3A_175 = tpu.vector_load %arg7[%parallel_loop3A_173, %parallel_loop3A_174] {strides = array<i32>} : memref<200x128xf32, #tpu.memory_space<vmem>>, vector<1x16xf32>,
      %parallel_loop3A_176 = vector.shape_cast %parallel_loop3A_175 : vector<1x16xf32> to vector<16xf32>
      %parallel_loop3A_177 = arith.addf %parallel_loop3A_176, %get3A_96 : vector<16xf32>
      %parallel_loop3A_178 = arith.index_cast %parallel_loop3A_162 : i32 to index
      %parallel_loop3A_179 = arith.constant 16 : index
      %parallel_loop3A_180 = tpu.vector_load %arg9[%parallel_loop3A_178, %parallel_loop3A_179] {strides = array<i32>} : memref<200x128xf32, #tpu.memory_space<vmem>>, vector<1x16xf32>,
      %parallel_loop3A_181 = vector.shape_cast %parallel_loop3A_180 : vector<1x16xf32> to vector<16xf32>
      %parallel_loop3A_182 = vector.shape_cast %parallel_loop3A_177 : vector<16xf32> to vector<1x16xf32>
      tpu.vector_store %arg9[%parallel_loop3A_178, %parallel_loop3A_179], %parallel_loop3A_182 {add = true, strides = array<i32>} : memref<200x128xf32, #tpu.memory_space<vmem>>, vector<1x16xf32>,
      %parallel_loop3A_183 = arith.index_cast %parallel_loop3A_162 : i32 to index
      %parallel_loop3A_184 = arith.constant 32 : index
      %parallel_loop3A_185 = tpu.vector_load %arg7[%parallel_loop3A_183, %parallel_loop3A_184] {strides = array<i32>} : memref<200x128xf32, #tpu.memory_space<vmem>>, vector<1x16xf32>,
      %parallel_loop3A_186 = vector.shape_cast %parallel_loop3A_185 : vector<1x16xf32> to vector<16xf32>
      %parallel_loop3A_187 = arith.addf %parallel_loop3A_186, %get3A_101 : vector<16xf32>
      %parallel_loop3A_188 = arith.index_cast %parallel_loop3A_162 : i32 to index
      %parallel_loop3A_189 = arith.constant 32 : index
      %parallel_loop3A_190 = tpu.vector_load %arg9[%parallel_loop3A_188, %parallel_loop3A_189] {strides = array<i32>} : memref<200x128xf32, #tpu.memory_space<vmem>>, vector<1x16xf32>,
      %parallel_loop3A_191 = vector.shape_cast %parallel_loop3A_190 : vector<1x16xf32> to vector<16xf32>
      %parallel_loop3A_192 = vector.shape_cast %parallel_loop3A_187 : vector<16xf32> to vector<1x16xf32>
      tpu.vector_store %arg9[%parallel_loop3A_188, %parallel_loop3A_189], %parallel_loop3A_192 {add = true, strides = array<i32>} : memref<200x128xf32, #tpu.memory_space<vmem>>, vector<1x16xf32>,
      %parallel_loop3A_193 = arith.index_cast %parallel_loop3A_162 : i32 to index
      %parallel_loop3A_194 = arith.constant 48 : index
      %parallel_loop3A_195 = tpu.vector_load %arg7[%parallel_loop3A_193, %parallel_loop3A_194] {strides = array<i32>} : memref<200x128xf32, #tpu.memory_space<vmem>>, vector<1x16xf32>,
      %parallel_loop3A_196 = vector.shape_cast %parallel_loop3A_195 : vector<1x16xf32> to vector<16xf32>
      %parallel_loop3A_197 = arith.addf %parallel_loop3A_196, %get3A_106 : vector<16xf32>
      %parallel_loop3A_198 = arith.index_cast %parallel_loop3A_162 : i32 to index
      %parallel_loop3A_199 = arith.constant 48 : index
      %parallel_loop3A_200 = tpu.vector_load %arg9[%parallel_loop3A_198, %parallel_loop3A_199] {strides = array<i32>} : memref<200x128xf32, #tpu.memory_space<vmem>>, vector<1x16xf32>,
      %parallel_loop3A_201 = vector.shape_cast %parallel_loop3A_200 : vector<1x16xf32> to vector<16xf32>
      %parallel_loop3A_202 = vector.shape_cast %parallel_loop3A_197 : vector<16xf32> to vector<1x16xf32>
      tpu.vector_store %arg9[%parallel_loop3A_198, %parallel_loop3A_199], %parallel_loop3A_202 {add = true, strides = array<i32>} : memref<200x128xf32, #tpu.memory_space<vmem>>, vector<1x16xf32>,
      %parallel_loop3A_203 = arith.index_cast %parallel_loop3A_162 : i32 to index
      %parallel_loop3A_204 = arith.constant 64 : index
      %parallel_loop3A_205 = tpu.vector_load %arg7[%parallel_loop3A_203, %parallel_loop3A_204] {strides = array<i32>} : memref<200x128xf32, #tpu.memory_space<vmem>>, vector<1x16xf32>,
      %parallel_loop3A_206 = vector.shape_cast %parallel_loop3A_205 : vector<1x16xf32> to vector<16xf32>
      %parallel_loop3A_207 = arith.addf %parallel_loop3A_206, %get3A_111 : vector<16xf32>
      %parallel_loop3A_208 = arith.index_cast %parallel_loop3A_162 : i32 to index
      %parallel_loop3A_209 = arith.constant 64 : index
      %parallel_loop3A_210 = tpu.vector_load %arg9[%parallel_loop3A_208, %parallel_loop3A_209] {strides = array<i32>} : memref<200x128xf32, #tpu.memory_space<vmem>>, vector<1x16xf32>,
      %parallel_loop3A_211 = vector.shape_cast %parallel_loop3A_210 : vector<1x16xf32> to vector<16xf32>
      %parallel_loop3A_212 = vector.shape_cast %parallel_loop3A_207 : vector<16xf32> to vector<1x16xf32>
      tpu.vector_store %arg9[%parallel_loop3A_208, %parallel_loop3A_209], %parallel_loop3A_212 {add = true, strides = array<i32>} : memref<200x128xf32, #tpu.memory_space<vmem>>, vector<1x16xf32>,
      %parallel_loop3A_213 = arith.index_cast %parallel_loop3A_162 : i32 to index
      %parallel_loop3A_214 = arith.constant 80 : index
      %parallel_loop3A_215 = tpu.vector_load %arg7[%parallel_loop3A_213, %parallel_loop3A_214] {strides = array<i32>} : memref<200x128xf32, #tpu.memory_space<vmem>>, vector<1x16xf32>,
      %parallel_loop3A_216 = vector.shape_cast %parallel_loop3A_215 : vector<1x16xf32> to vector<16xf32>
      %parallel_loop3A_217 = arith.addf %parallel_loop3A_216, %get3A_116 : vector<16xf32>
      %parallel_loop3A_218 = arith.index_cast %parallel_loop3A_162 : i32 to index
      %parallel_loop3A_219 = arith.constant 80 : index
      %parallel_loop3A_220 = tpu.vector_load %arg9[%parallel_loop3A_218, %parallel_loop3A_219] {strides = array<i32>} : memref<200x128xf32, #tpu.memory_space<vmem>>, vector<1x16xf32>,
      %parallel_loop3A_221 = vector.shape_cast %parallel_loop3A_220 : vector<1x16xf32> to vector<16xf32>
      %parallel_loop3A_222 = vector.shape_cast %parallel_loop3A_217 : vector<16xf32> to vector<1x16xf32>
      tpu.vector_store %arg9[%parallel_loop3A_218, %parallel_loop3A_219], %parallel_loop3A_222 {add = true, strides = array<i32>} : memref<200x128xf32, #tpu.memory_space<vmem>>, vector<1x16xf32>,
      %parallel_loop3A_223 = arith.index_cast %parallel_loop3A_162 : i32 to index
      %parallel_loop3A_224 = arith.constant 96 : index
      %parallel_loop3A_225 = tpu.vector_load %arg7[%parallel_loop3A_223, %parallel_loop3A_224] {strides = array<i32>} : memref<200x128xf32, #tpu.memory_space<vmem>>, vector<1x16xf32>,
      %parallel_loop3A_226 = vector.shape_cast %parallel_loop3A_225 : vector<1x16xf32> to vector<16xf32>
      %parallel_loop3A_227 = arith.addf %parallel_loop3A_226, %get3A_121 : vector<16xf32>
      %parallel_loop3A_228 = arith.index_cast %parallel_loop3A_162 : i32 to index
      %parallel_loop3A_229 = arith.constant 96 : index
      %parallel_loop3A_230 = tpu.vector_load %arg9[%parallel_loop3A_228, %parallel_loop3A_229] {strides = array<i32>} : memref<200x128xf32, #tpu.memory_space<vmem>>, vector<1x16xf32>,
      %parallel_loop3A_231 = vector.shape_cast %parallel_loop3A_230 : vector<1x16xf32> to vector<16xf32>
      %parallel_loop3A_232 = vector.shape_cast %parallel_loop3A_227 : vector<16xf32> to vector<1x16xf32>
      tpu.vector_store %arg9[%parallel_loop3A_228, %parallel_loop3A_229], %parallel_loop3A_232 {add = true, strides = array<i32>} : memref<200x128xf32, #tpu.memory_space<vmem>>, vector<1x16xf32>,
      %parallel_loop3A_233 = arith.index_cast %parallel_loop3A_162 : i32 to index
      %parallel_loop3A_234 = arith.constant 112 : index
      %parallel_loop3A_235 = tpu.vector_load %arg7[%parallel_loop3A_233, %parallel_loop3A_234] {strides = array<i32>} : memref<200x128xf32, #tpu.memory_space<vmem>>, vector<1x16xf32>,
      %parallel_loop3A_236 = vector.shape_cast %parallel_loop3A_235 : vector<1x16xf32> to vector<16xf32>
      %parallel_loop3A_237 = arith.addf %parallel_loop3A_236, %get3A_126 : vector<16xf32>
      %parallel_loop3A_238 = arith.index_cast %parallel_loop3A_162 : i32 to index
      %parallel_loop3A_239 = arith.constant 112 : index
      %parallel_loop3A_240 = tpu.vector_load %arg9[%parallel_loop3A_238, %parallel_loop3A_239] {strides = array<i32>} : memref<200x128xf32, #tpu.memory_space<vmem>>, vector<1x16xf32>,
      %parallel_loop3A_241 = vector.shape_cast %parallel_loop3A_240 : vector<1x16xf32> to vector<16xf32>
      %parallel_loop3A_242 = vector.shape_cast %parallel_loop3A_237 : vector<16xf32> to vector<1x16xf32>
      tpu.vector_store %arg9[%parallel_loop3A_238, %parallel_loop3A_239], %parallel_loop3A_242 {add = true, strides = array<i32>} : memref<200x128xf32, #tpu.memory_space<vmem>>, vector<1x16xf32>,
    } {sc.loop_unroll_factor = 4 : i64, sc.parallel_access}
    %add3A_130 = arith.constant 49 : i32
    %add3A_131 = arith.addi %mul3A_2, %add3A_130 : i32
    %mul3A_132 = arith.constant 200 : i32
    %mul3A_133 = arith.muli %add3A_131, %mul3A_132 : i32
    %dma_start3A_134 = arith.constant 0 : i32
    %dma_start3A_135 = tpu.memref_slice %arg5[%mul3A_133, %dma_start3A_134] : memref<320000x128xf32, #tpu.memory_space<hbm>> -> memref<200x128xf32, #tpu.memory_space<hbm>>
    %dma_start3A_136 = arith.constant 0 : i32
    %dma_start3A_137 = tpu.memref_slice %arg5[%mul3A_133, %dma_start3A_136] : memref<320000x128xf32, #tpu.memory_space<hbm>> -> memref<200x128xf32, #tpu.memory_space<hbm>>
    tpu.enqueue_dma source(%arg9 : memref<200x128xf32, #tpu.memory_space<vmem>>) target(%dma_start3A_137 : memref<200x128xf32, #tpu.memory_space<hbm>>) target_semaphore(%arg15 : memref<!tpu.dma_semaphore, #tpu.memory_space<semaphore_mem>>)
    %add3A_138 = arith.constant 47 : i32
    %add3A_139 = arith.addi %mul3A_2, %add3A_138 : i32
    %mul3A_140 = arith.constant 200 : i32
    %mul3A_141 = arith.muli %add3A_139, %mul3A_140 : i32
    %dma_wait3A_142 = arith.constant 0 : i32
    %dma_wait3A_143 = tpu.memref_slice %arg5[%mul3A_141, %dma_wait3A_142] : memref<320000x128xf32, #tpu.memory_space<hbm>> -> memref<200x128xf32, #tpu.memory_space<hbm>>
    %dma_wait3A_144 = arith.constant 0 : i32
    %dma_wait3A_145 = tpu.memref_slice %arg5[%mul3A_141, %dma_wait3A_144] : memref<320000x128xf32, #tpu.memory_space<hbm>> -> memref<200x128xf32, #tpu.memory_space<hbm>>
    tpu.wait_dma2 semaphore(%arg16 : memref<!tpu.dma_semaphore, #tpu.memory_space<semaphore_mem>>) src(%arg10 : memref<200x128xf32, #tpu.memory_space<vmem>>) dst(%dma_wait3A_145 : memref<200x128xf32, #tpu.memory_space<hbm>>)
    %add3A_146 = arith.constant 48 : i32
    %add3A_147 = arith.addi %mul3A_2, %add3A_146 : i32
    %mul3A_148 = arith.constant 200 : i32
    %mul3A_149 = arith.muli %add3A_147, %mul3A_148 : i32
    %dma_wait3A_150 = arith.constant 0 : i32
    %dma_wait3A_151 = tpu.memref_slice %arg5[%mul3A_149, %dma_wait3A_150] : memref<320000x128xf32, #tpu.memory_space<hbm>> -> memref<200x128xf32, #tpu.memory_space<hbm>>
    %dma_wait3A_152 = arith.constant 0 : i32
    %dma_wait3A_153 = tpu.memref_slice %arg5[%mul3A_149, %dma_wait3A_152] : memref<320000x128xf32, #tpu.memory_space<hbm>> -> memref<200x128xf32, #tpu.memory_space<hbm>>
    tpu.wait_dma2 semaphore(%arg14 : memref<!tpu.dma_semaphore, #tpu.memory_space<semaphore_mem>>) src(%arg8 : memref<200x128xf32, #tpu.memory_space<vmem>>) dst(%dma_wait3A_153 : memref<200x128xf32, #tpu.memory_space<hbm>>)
    %add3A_154 = arith.constant 49 : i32
    %add3A_155 = arith.addi %mul3A_2, %add3A_154 : i32
    %mul3A_156 = arith.constant 200 : i32
    %mul3A_157 = arith.muli %add3A_155, %mul3A_156 : i32
    %dma_wait3A_158 = arith.constant 0 : i32
    %dma_wait3A_159 = tpu.memref_slice %arg5[%mul3A_157, %dma_wait3A_158] : memref<320000x128xf32, #tpu.memory_space<hbm>> -> memref<200x128xf32, #tpu.memory_space<hbm>>
    %dma_wait3A_160 = arith.constant 0 : i32
    %dma_wait3A_161 = tpu.memref_slice %arg5[%mul3A_157, %dma_wait3A_160] : memref<320000x128xf32, #tpu.memory_space<hbm>> -> memref<200x128xf32, #tpu.memory_space<hbm>>
    tpu.wait_dma2 semaphore(%arg15 : memref<!tpu.dma_semaphore, #tpu.memory_space<semaphore_mem>>) src(%arg9 : memref<200x128xf32, #tpu.memory_space<vmem>>) dst(%dma_wait3A_161 : memref<200x128xf32, #tpu.memory_space<hbm>>)
    return
  }
}

</mosaic_0001>

<sc_bundles>
// kernel: kernel.3.cloned.1.call-start
scs
__scs_entry_jumppad:
0x0: {  	(pc) =	sbr.rel $0x88, $3  }
0x1: {  	(tag) =	ssettag $0x0;
	lr =	simm.s32 $0x1  }
0x2: {  	[smem:$0x3F9E] =	sst lr;
	_ =	strace $0xD0000000  }
0x3: {  	_ = 	snop  }
0x4: {  	_ = 	snop  }
0x5: {  	_ = 	snop  }
0x6: {  	_ = 	snop  }
0x7: {  	_ = 	snop  }
__scs_overlays_trampoline_lowered:
0x8: {  	[smem:$0x3FAD] =	sst s0  }
0x9: {  	[smem:$0x3FAE] =	sst s1  }
0xa: {  	[smem:$0x3FAF] =	sst s2  }
0xb: {  	[smem:$0x3FB0] =	sst s3  }
0xc: {  	[smem:$0x3FB1] =	sst s4  }
0xd: {  	[smem:$0x3FB2] =	sst s5  }
0xe: {  	[smem:$0x3FB3] =	sst s6  }
0xf: {  	[smem:$0x3FB4] =	sst s7  }
0x10: {  	[smem:$0x3FB5] =	sst s8  }
0x11: {  	[smem:$0x3FB6] =	sst s9;
	s0 =	simm.s32 @!p0 $0x0  }
0x12: {  	s1 =	sld [smem:$0x3F9C];
	s0 =	simm.s32 @p0 $0x1  }
0x13: {  	[smem:$0x3FB7] =	sst s0;
	s0 =	simm.s32 @!p1 $0x0  }
0x14: {  	s2 =	sld [smem:$0x3F9B];
	s0 =	simm.s32 @p1 $0x1  }
0x15: {  	[smem:$0x3FB8] =	sst s0;
	s0 =	simm.s32 @!p2 $0x0  }
0x16: {  	s3 =	sld [smem:$0x3FDB];
	s0 =	simm.s32 @p2 $0x1  }
0x17: {  	s4 =	simm.s32 $0x1BF5;
	[smem:$0x3FBA] =	sst s0  }
0x18: {  	s0 =	sld [smem:$0x3F9D];
	_ =	swait.ge [sflag:s4], $0x0  }
0x19: {  	s7 =	sld [smem:$0x3F9E]  }
0x1a: {  	s8 =	sadd.s32 $0xFFFFE003, lr  }
0x1b: {  	s9 =	sadd.s32 $0xFFFFFEF7, lr;
	s5 =	simm.s32 $0xFFFFFFFF;
	p2 =	slt.u32 s8, $0xFFFFF086  }
0x1c: {  	p1 =	slt.u32 s9, $0xF7A;
	s5 =	simm.s32 @!p2 $0x0  }
0x1d: {  	s5 =	simm.s32 @p1 $0x1;
	p0 =	seq.s32 s7, s2  }
0x1e: {  	s7 =	smul.u32 @!p0 $0xF7A, s2;
	p2 =	seq.s32 @!p0 s5, $0x0  }
0x1f: {  	s9 =	smul.u32 $0xF7A, s1;
	s8 =	simm.s32 @!p0 $0x1BF5;
	p2 =	por !p2, p0  }
0x20: {  	[sflag:s8] =	ssyncset.s32 @!p0 $0xFFFFF086;
	s6 =	sadd.s32 @!p0 s3, s7;
	s7 =	simm.s32 @!p0 $0x108  }
0x21: {  	s3 =	sadd.s32 s3, s9;
	s6 =	sadd.s32 @!p0 $0x88, s6;
	s7 =	simm.s32 @p2 $0x1082  }
0x22: {  	[simem:s7], [sflag:s8] =	dma.local @!p0 [hbm:s6], $0xF7A  }
0x23: {  	s9 =	sor.u32 $0xD0000000, s2;
	s6 =	simm.s32 $0x108;
	_ =	swait.ge @!p0 [sflag:s8], $0x0  }
0x24: {  	s3 =	sadd.s32 $0x88, s3;
	s6 =	simm.s32 @!p1 $0x1082;
	[sflag:s4] =	ssyncset.s32 $0xFFFFF086  }
0x25: {  	[simem:s6], [sflag:s4] =	dma.local [hbm:s3], $0xF7A  }
0x26: {  	[smem:$0x3F9E] =	sst s1;
	(tag) =	ssettag s2;
	_ =	strace s9  }
0x27: {  	s1 =	sld [smem:$0x3FAE]  }
0x28: {  	s2 =	sld [smem:$0x3FAF]  }
0x29: {  	s4 =	sld [smem:$0x3FB1]  }
0x2a: {  	p0 =	seq.s32 s5, $0x0;
	s5 =	sld [smem:$0x3FB2]  }
0x2b: {  	s6 =	sld [smem:$0x3FB3]  }
0x2c: {  	s7 =	sld [smem:$0x3FB4]  }
0x2d: {  	s3 =	simm.s32 $0x108;
	s8 =	sld [smem:$0x3FB5]  }
0x2e: {  	s3 =	simm.s32 @!p0 $0x1082;
	s9 =	sld [smem:$0x3FB6]  }
0x2f: {  	lr =	sadd.s32 s0, s3;
	s0 =	sld [smem:$0x3FAD]  }
0x30: {  	s3 =	sld [smem:$0x3FB0]  }
0x31: {  	[smem:$0x3FB9] =	sst s10  }
0x32: {  	s10 =	sld [smem:$0x3FB7];
	_ =	sdelay $0x3  }
0x33: {  	p0 =	seq.s32 s10, $0x1;
	s10 =	sld [smem:$0x3FB9];
	_ =	sdelay $0x3  }
0x34: {  	[smem:$0x3FB9] =	sst s10  }
0x35: {  	s10 =	sld [smem:$0x3FB8];
	_ =	sdelay $0x3  }
0x36: {  	p1 =	seq.s32 s10, $0x1;
	s10 =	sld [smem:$0x3FB9];
	_ =	sdelay $0x3  }
0x37: {  	[smem:$0x3FB9] =	sst s10  }
0x38: {  	s10 =	sld [smem:$0x3FBA]  }
0x39: {  	_ = 	snop;
	(pc) =	sbr.ind lr, $3  }
0x3a: {  	_ = 	snop  }
0x3b: {  	_ = 	snop  }
0x3c: {  	p2 =	seq.s32 s10, $0x1;
	s10 =	sld [smem:$0x3FB9]  }
0x3d: {  	_ =	shalt  }
0x3e: {  	_ =	shalt  }
0x3f: {  	_ =	shalt  }
0x40: {  	_ =	shalt  }
0x41: {  	_ =	shalt  }
0x42: {  	_ =	shalt  }
0x43: {  	_ =	shalt  }
0x44: {  	_ =	shalt  }
0x45: {  	_ =	shalt  }
0x46: {  	_ =	shalt  }
0x47: {  	_ =	shalt  }
0x48: {  	_ =	shalt  }
0x49: {  	_ =	shalt  }
0x4a: {  	_ =	shalt  }
0x4b: {  	_ =	shalt  }
0x4c: {  	_ =	shalt  }
0x4d: {  	_ =	shalt  }
0x4e: {  	_ =	shalt  }
0x4f: {  	_ =	shalt  }
0x50: {  	_ =	shalt  }
0x51: {  	_ =	shalt  }
0x52: {  	_ =	shalt  }
0x53: {  	_ =	shalt  }
0x54: {  	_ =	shalt  }
0x55: {  	_ =	shalt  }
0x56: {  	_ =	shalt  }
0x57: {  	_ =	shalt  }
0x58: {  	_ =	shalt  }
0x59: {  	_ =	shalt  }
0x5a: {  	_ =	shalt  }
0x5b: {  	_ =	shalt  }
0x5c: {  	_ =	shalt  }
0x5d: {  	_ =	shalt  }
0x5e: {  	_ =	shalt  }
0x5f: {  	_ =	shalt  }
0x60: {  	_ =	shalt  }
0x61: {  	_ =	shalt  }
0x62: {  	_ =	shalt  }
0x63: {  	_ =	shalt  }
0x64: {  	_ =	shalt  }
0x65: {  	_ =	shalt  }
0x66: {  	_ =	shalt  }
0x67: {  	_ =	shalt  }
0x68: {  	_ =	shalt  }
0x69: {  	_ =	shalt  }
0x6a: {  	_ =	shalt  }
0x6b: {  	_ =	shalt  }
0x6c: {  	_ =	shalt  }
0x6d: {  	_ =	shalt  }
0x6e: {  	_ =	shalt  }
0x6f: {  	_ =	shalt  }
0x70: {  	_ =	shalt  }
0x71: {  	_ =	shalt  }
0x72: {  	_ =	shalt  }
0x73: {  	_ =	shalt  }
0x74: {  	_ =	shalt  }
0x75: {  	_ =	shalt  }
0x76: {  	_ =	shalt  }
0x77: {  	_ =	shalt  }
0x78: {  	_ =	shalt  }
0x79: {  	_ =	shalt  }
0x7a: {  	_ =	shalt  }
0x7b: {  	_ =	shalt  }
0x7c: {  	_ =	shalt  }
0x7d: {  	_ =	shalt  }
0x7e: {  	_ =	shalt  }
0x7f: {  	_ =	shalt  }
0x80: {  	_ =	shalt  }
0x81: {  	_ =	shalt  }
0x82: {  	_ =	shalt  }
0x83: {  	_ =	shalt  }
0x84: {  	_ =	shalt  }
0x85: {  	_ =	shalt  }
0x86: {  	_ =	shalt  }
0x87: {  	_ =	shalt  }
.Lfunc_end0:
.L_simem_size_0:
called_computation_lowered:
.L_overlay_start_0:
0x88: {  	s2 =	sld [smem:$0x3FD9]  }
0x89: {  	s3 =	sld [smem:$0x3FFE];
	_ =	sdelay $0x1  }
0x8a: {  	s1 =	srdreg.scid  }
0x8b: {  	s0 =	sand.u32 $0x1, s1  }
0x8c: {  	s17 =	sshll.u32 s0, $0xA;
	s2 =	sadd.s32 s3, s2  }
0x8d: {  	s2 =	sadd.s32 s2, s17  }
0x8e: {  	[smem:$0x3FC5] =	sst s2  }
0x8f: {  	_ = 	snop  }
0x90: {  	s2 =	sld [smem:$0x3FC9]  }
0x91: {  	s18 =	sld [smem:$0x3FC8]  }
0x92: {  	s4 =	sld [smem:$0x3FD0];
	(tm) =	ssettm $0x1  }
0x93: {  	s5 =	sld [smem:$0x3FFB];
	_ =	sdelay $0x3  }
0x94: {  	_ =	strace s5  }
0x95: {  	s5 =	sld [smem:$0x3FFC];
	_ =	sdelay $0x3  }
0x96: {  	_ =	strace s5  }
0x97: {  	s5 =	sld [smem:$0x3FFD];
	_ =	sdelay $0x3  }
0x98: {  	_ =	strace s5  }
0x99: {  	_ =	strace $0x8FFFFFFF  }
0x9a: {  	s19 =	sld [smem:$0x3FDB];
	_ =	sdelay $0x1  }
0x9b: {  	s6 =	simm.s32 $_scs_section_size  }
0x9c: {  	s7 =	simm.s32 $_size__tile_overlayer_lowered;
	s8 =	simm.s32 $_tile_overlayer_lowered  }
0x9d: {  	s22 =	simm.s32 $0x1BFF;
	s21 =	sshll.u32 s8, $0x1;
	s5 =	sadd.s32 s6, s19  }
0x9e: {  	s9 =	simm.s32 $0x0;
	s20 =	sshll.u32 s7, $0x1;
	s7 =	sadd.s32 s21, s5  }
0x9f: {  	[timem:s9], [sflag:s22] =	dma.local [hbm:s7], s20  }
0xa0: {  	_ =	swait.ge [sflag:s22], s20  }
0xa1: {  	s6 =	ssub.s32 $0x0, s20;
	[sflag:s22] =	ssyncset.done $0x0  }
0xa2: {  	[sflag:s22] =	ssyncadd.s32 s6;
	_ =	sdelay $0x1  }
0xa3: {  	s23 =	simm.s32 $0x1B8B  }
0xa4: {  	_ =	swait.ge [sflag:s23], $0x1  }
0xa5: {  	[sflag:s23] =	ssyncset.done $0x0  }
0xa6: {  	s25 =	simm.s32 $0x1B8E;
	s24 =	sld [smem:$0x3FFE];
	[sflag:s23] =	ssyncadd.s32 $0xFFFFFFFF  }
0xa7: {  	s26 =	simm.s32 $execute0_lowered;
	[smem:$0x3FD2] =	sst s25  }
0xa8: {  	s7 =	sshll.u32 s26, $0x1;
	_ =	strace $0x80000046;
	[dreg:$0x1] =	wrdreg $0xFFFFFFFF  }
0xa9: {  	s28 =	simm.s32 $_size_execute0_lowered;
	s5 =	sadd.s32 s5, s7;
	[dreg:$0x0] =	wrdreg $0x0  }
0xaa: {  	s7 =	sshll.u32 s28, $0x1;
	[dreg:$0x2] =	wrdreg s5  }
0xab: {  	[dreg:$0x3] =	wrdreg s7  }
0xac: {  	[dreg:$0x4] =	wrdreg $0xC0  }
0xad: {  	_ =	task [dreg:s9], $0x5FFFF  }
0xae: {  	[dreg:$0x1] =	wrdreg $0xFFFFFFFF  }
0xaf: {  	[dreg:$0x0] =	wrdreg $0x60  }
0xb0: {  	[dreg:$0x2] =	wrdreg s2  }
0xb1: {  	[dreg:$0x3] =	wrdreg s18  }
0xb2: {  	[dreg:$0x4] =	wrdreg s24  }
0xb3: {  	[dreg:$0x5] =	wrdreg s4  }
0xb4: {  	[dreg:$0x6] =	wrdreg $0x9  }
0xb5: {  	_ =	task.clear_ibuf [dreg:s9], $0x7FFFF;
	_ =	strace $0x90000046  }
0xb6: {  	s29 =	simm.s32 $0x9;
	_ =	strace $0x80000048  }
0xb7: {  	_ =	swait.ge [sflag:s29], $0x1  }
0xb8: {  	[sflag:s29] =	ssyncadd.s32 $0xFFFFFFFF  }
0xb9: {  	_ =	strace $0x90000048  }
0xba: {  	_ =	sfence  }
0xbb: {  	s30 =	sld [smem:$0x0];
	_ =	sdelay $0x2  }
0xbc: {  	s31 =	sshll.u32 s1, $0xD;
	s1 =	sshrl.u32 s1, $0x2  }
0xbd: {  	s3 =	sand.u32 $0x4000, s31;
	s1 =	sadd.s32 s1, s30  }
0xbe: {  	s0 =	sor.u32 s3, s0;
	s1 =	sshll.u32 s1, $0x11  }
0xbf: {  	s0 =	sor.u32 s1, s0  }
0xc0: {  	s0 =	sadd.s32 $0x8F2B, s0  }
0xc1: {  	[sflag:s0] =	ssyncadd.remote.s32 $0x1  }
0xc2: {  	_ =	sfence.sel $0xFFFF  }
0xc3: {  	[dreg:$0x0] =	wrdreg $0xFFFFFFFF;
	(pc) =	sbr.abs _section_cstart, $3  }
0xc4: {  	[dreg:$0x1] =	wrdreg $0xFFFFFFFF  }
0xc5: {  	_ =	task.clear_ibuf [dreg:s9], $0x2FFFF;
	_ =	strace $0x9FFFFFFF  }
0xc6: {  	(tm) =	ssettm $0x7FFFFFFF  }
0xc7: {  	_ =	shalt  }
tec
execute0_lowered:
.L_overlay_start_1:
0x0: {  	(tag) =	ssettag $0x1  }
0x1: {  	s1 =	rddreg [dreg:$0x0]  }
0x2: {  	s0 =	rddreg [dreg:$0x2];
	s2 =	srdreg.scid  }
0x3: {  	s3 =	stileid.u32;
	s4 =	rddreg [dreg:$0x3];
	s5 =	simm.s32 $0x0  }
0x4: {  	s15 =	simm.s32 $0x7;
	s17 =	simm.s32 $0x8000;
	s18 =	simm.s32 $0xE400  }
0x5: {  	s19 =	simm.s32 $0x1;
	s20 =	simm.s32 $0x14800;
	s21 =	simm.s32 $0x2  }
0x6: {  	s22 =	simm.s32 $0x4;
	s23 =	simm.s32 $0x3;
	s24 =	simm.s32 $0x5  }
0x7: {  	s25 =	simm.s32 $0x6;
	s2 =	sand.u32 $0x1, s2;
	s3 =	sshll.u32 s3, $0x1  }
0x8: {  	s26 =	simm.s32 $0x0;
	[smem:$0x7FF] =	sst s5;
	s3 =	sor.u32 s2, s3  }
0x9: {  	s6 =	sadd.s32 $0x400, s0;
	s28 =	ssub.s32 $0x2, s2;
	s7 =	smul.u32 $0x138800, s3  }
0xa: {  	_ =	strace $0x80000047;
	s29 =	smul.u32 $0x27100, s3;
	s8 =	sshrl.u32 s28, $0x1  }
0xb: {  	s0 =	ssub.s32 s28, s8;
	s12 =	sshrl.u32 s7, $0x3;
	s7 =	smul.u32 $0x32, s3  }
0xc: {  	s8 =	sadd.s32 s1, s29;
	s14 =	smax.u32 s0, $0x1;
	s30 =	sadd.s32 s1, s12  }
0xd: {  	s31 =	sadd.s32 s4, s12;
	s9 =	sadd.s32 $0xC80, s30;
	s10 =	sadd.s32 $0x3, s7  }
0xe: {  	s11 =	sadd.s32 $0x4, s7;
	s12 =	sadd.s32 $0x25800, s31;
	s13 =	sadd.s32 $0x26480, s31  }
.LBB2_1:
0xf: {  	s0 =	rddreg [dreg:$0x1]  }
0x10: {  	[tilespmem:s5], [sflag:$0x7] =	stream.linear.gather [hbm4b:s0+s5], $0x1900, $0x38;
	[tilespmem:$0x1AC00] =	vst v63  }
0x11: {  	_ =	swait.ge [sflag:s15], $0x1900  }
0x12: {  	[sflag:s15] =	ssyncset.done $0x0  }
0x13: {  	s31 =	simm.s32 $0x1C00;
	[sflag:s15] =	ssyncadd.s32 $0xFFFFE700  }
0x14: {  	[tilespmem:s31], [sflag:$0x7] =	stream.linear.gather [hbm4b:s6+s5], $0x6400, $0x38;
	[tilespmem:$0x1AC00] =	vst v63  }
0x15: {  	_ =	swait.ge [sflag:s15], $0x6400  }
0x16: {  	[sflag:s15] =	ssyncset.done $0x0  }
0x17: {  	[sflag:s15] =	ssyncadd.s32 $0xFFFF9C00  }
0x18: {  	[tilespmem:s17], [sflag:$0x1] =	stream.linear.gather [hbm4b:s8+s5], $0x6400, $0x38;
	[tilespmem:$0x1AC00] =	vst v63  }
0x19: {  	s28 =	simm.s32 $0x0  }
0x1a: {  	[tilespmem:s18], [sflag:$0x2] =	stream.linear.gather [hbm4b:s9+s5], $0x6400, $0x38;
	[tilespmem:$0x1AC00] =	vst v63  }
.LBB2_2:
0x1b: {  	_ =	swait.ge [sflag:s19], $0x6400;
	s0 =	smul.u32 $0x600, s28  }
0x1c: {  	[sflag:s19] =	ssyncset.done $0x0  }
0x1d: {  	[sflag:s19] =	ssyncadd.s32 $0xFFFF9C00;
	s0 =	sshra.s32 s0, $0x2  }
0x1e: {  	v0 =	vld [tilespmem:s0+$0x0]  }
0x1f: {  	v1 =	vld [tilespmem:s0+$0x10]  }
0x20: {  	v2 =	vld [tilespmem:s0+$0x20]  }
0x21: {  	v3 =	vld [tilespmem:s0+$0x30]  }
0x22: {  	v4 =	vld [tilespmem:s0+$0x40]  }
0x23: {  	v5 =	vld [tilespmem:s0+$0x50]  }
0x24: {  	v6 =	vld [tilespmem:s0+$0x60]  }
0x25: {  	s3 =	simm.s32 $0x0;
	v7 =	vld [tilespmem:s0+$0x70]  }
0x26: {  	v8 =	vld [tilespmem:s3+$0x1DF0]  }
0x27: {  	v9 =	vld [tilespmem:s3+$0x1C00]  }
0x28: {  	v10 =	vld [tilespmem:s3+$0x1C10]  }
0x29: {  	v11 =	vld [tilespmem:s3+$0x1C20]  }
0x2a: {  	v12 =	vld [tilespmem:s3+$0x1C30]  }
0x2b: {  	v13 =	vld [tilespmem:s3+$0x1C40]  }
0x2c: {  	v14 =	vld [tilespmem:s3+$0x1C50]  }
0x2d: {  	v15 =	vld [tilespmem:s3+$0x1C70]  }
0x2e: {  	v16 =	vld [tilespmem:s3+$0x1C80]  }
0x2f: {  	v17 =	vld [tilespmem:s3+$0x1C90]  }
0x30: {  	v18 =	vld [tilespmem:s3+$0x1CA0]  }
0x31: {  	v19 =	vld [tilespmem:s3+$0x1CB0]  }
0x32: {  	v20 =	vld [tilespmem:s3+$0x1CC0]  }
0x33: {  	v21 =	vld [tilespmem:s3+$0x1CD0]  }
0x34: {  	v22 =	vld [tilespmem:s3+$0x1CE0]  }
0x35: {  	v23 =	vld [tilespmem:s3+$0x1CF0]  }
0x36: {  	v24 =	vld [tilespmem:s3+$0x1D00]  }
0x37: {  	v25 =	vld [tilespmem:s3+$0x1D10]  }
0x38: {  	v26 =	vld [tilespmem:s3+$0x1D20]  }
0x39: {  	v27 =	vld [tilespmem:s3+$0x1D30]  }
0x3a: {  	v28 =	vld [tilespmem:s3+$0x1D40]  }
0x3b: {  	v29 =	vld [tilespmem:s3+$0x1D50]  }
0x3c: {  	v30 =	vld [tilespmem:s3+$0x1D60]  }
0x3d: {  	v31 =	vld [tilespmem:s3+$0x1D70]  }
0x3e: {  	v32 =	vld [tilespmem:s3+$0x1D80]  }
0x3f: {  	v33 =	vld [tilespmem:s3+$0x1D90]  }
0x40: {  	v34 =	vld [tilespmem:s3+$0x1DA0]  }
0x41: {  	v35 =	vld [tilespmem:s3+$0x1DB0]  }
0x42: {  	v36 =	vld [tilespmem:s3+$0x1DC0]  }
0x43: {  	v37 =	vld [tilespmem:s3+$0x1DD0];
	v8 =	vadd.f32 v8, v7  }
0x44: {  	v38 =	vld [tilespmem:s3+$0x1DE0]  }
0x45: {  	v9 =	vadd.f32 v9, v0;
	[tilespmem:s3+$0x81F0] =	vst.add.f32.msk $0xffff, v8  }
0x46: {  	v10 =	vadd.f32 v10, v1;
	v8 =	vld [tilespmem:s3+$0x1C60]  }
0x47: {  	v11 =	vadd.f32 v11, v2;
	[tilespmem:s3+$0x8000] =	vst.add.f32.msk $0xffff, v9  }
0x48: {  	v9 =	vadd.f32 v12, v3;
	[tilespmem:s3+$0x8010] =	vst.add.f32.msk $0xffff, v10  }
0x49: {  	v10 =	vadd.f32 v13, v4;
	[tilespmem:s3+$0x8020] =	vst.add.f32.msk $0xffff, v11  }
0x4a: {  	v11 =	vadd.f32 v14, v5;
	[tilespmem:s3+$0x8030] =	vst.add.f32.msk $0xffff, v9  }
0x4b: {  	[tilespmem:s3+$0x8040] =	vst.add.f32.msk $0xffff, v10;
	v9 =	vadd.f32 v15, v7  }
0x4c: {  	[tilespmem:s3+$0x8050] =	vst.add.f32.msk $0xffff, v11;
	v10 =	vadd.f32 v16, v0  }
0x4d: {  	[tilespmem:s3+$0x8070] =	vst.add.f32.msk $0xffff, v9;
	v9 =	vadd.f32 v18, v2  }
0x4e: {  	[tilespmem:s3+$0x8080] =	vst.add.f32.msk $0xffff, v10;
	v10 =	vadd.f32 v19, v3  }
0x4f: {  	v8 =	vadd.f32 v8, v6;
	[tilespmem:s3+$0x80A0] =	vst.add.f32.msk $0xffff, v9  }
0x50: {  	v9 =	vadd.f32 v21, v5;
	[tilespmem:s3+$0x80B0] =	vst.add.f32.msk $0xffff, v10  }
0x51: {  	v10 =	vadd.f32 v22, v6;
	[tilespmem:s3+$0x8060] =	vst.add.f32.msk $0xffff, v8  }
0x52: {  	v8 =	vadd.f32 v17, v1;
	[tilespmem:s3+$0x80D0] =	vst.add.f32.msk $0xffff, v9  }
0x53: {  	v9 =	vadd.f32 v24, v0;
	[tilespmem:s3+$0x80E0] =	vst.add.f32.msk $0xffff, v10  }
0x54: {  	v10 =	vadd.f32 v25, v1;
	[tilespmem:s3+$0x8090] =	vst.add.f32.msk $0xffff, v8  }
0x55: {  	v8 =	vadd.f32 v20, v4;
	[tilespmem:s3+$0x8100] =	vst.add.f32.msk $0xffff, v9  }
0x56: {  	v9 =	vadd.f32 v27, v3;
	[tilespmem:s3+$0x8110] =	vst.add.f32.msk $0xffff, v10  }
0x57: {  	v10 =	vadd.f32 v28, v4;
	[tilespmem:s3+$0x80C0] =	vst.add.f32.msk $0xffff, v8  }
0x58: {  	v8 =	vadd.f32 v23, v7;
	[tilespmem:s3+$0x8130] =	vst.add.f32.msk $0xffff, v9  }
0x59: {  	v9 =	vadd.f32 v30, v6;
	[tilespmem:s3+$0x8140] =	vst.add.f32.msk $0xffff, v10  }
0x5a: {  	v10 =	vadd.f32 v31, v7;
	[tilespmem:s3+$0x80F0] =	vst.add.f32.msk $0xffff, v8  }
0x5b: {  	v8 =	vadd.f32 v26, v2;
	[tilespmem:s3+$0x8160] =	vst.add.f32.msk $0xffff, v9  }
0x5c: {  	v9 =	vadd.f32 v33, v1;
	[tilespmem:s3+$0x8170] =	vst.add.f32.msk $0xffff, v10  }
0x5d: {  	[tilespmem:s3+$0x8120] =	vst.add.f32.msk $0xffff, v8;
	v8 =	vadd.f32 v29, v5  }
0x5e: {  	v10 =	vadd.f32 v34, v2;
	[tilespmem:s3+$0x8190] =	vst.add.f32.msk $0xffff, v9  }
0x5f: {  	[tilespmem:s3+$0x8150] =	vst.add.f32.msk $0xffff, v8;
	v8 =	vadd.f32 v32, v0  }
0x60: {  	v9 =	vadd.f32 v36, v4;
	[tilespmem:s3+$0x81A0] =	vst.add.f32.msk $0xffff, v10  }
0x61: {  	[tilespmem:s3+$0x8180] =	vst.add.f32.msk $0xffff, v8;
	v8 =	vadd.f32 v35, v3  }
0x62: {  	v10 =	vadd.f32 v37, v5;
	[tilespmem:s3+$0x81C0] =	vst.add.f32.msk $0xffff, v9  }
0x63: {  	[tilespmem:s3+$0x81B0] =	vst.add.f32.msk $0xffff, v8;
	v8 =	vadd.f32 v38, v6  }
0x64: {  	s2 =	simm.s32 $0x800;
	s0 =	simm.s32 $0x0;
	[tilespmem:s3+$0x81D0] =	vst.add.f32.msk $0xffff, v10  }
.LBB2_3:
0x65: {  	s0 =	sadd.s32 $0x4, s0;
	[tilespmem:s3+$0x81E0] =	vst.add.f32.msk $0xffff, v8;
	s3 =	sshra.s32 s2, $0x2  }
0x66: {  	v8 =	vld [tilespmem:s3+$0x1DF0];
	p0 =	slt.u32 s0, $0xC4  }
0x67: {  	v9 =	vld [tilespmem:s3+$0x1C00]  }
0x68: {  	v10 =	vld [tilespmem:s3+$0x1C10]  }
0x69: {  	v11 =	vld [tilespmem:s3+$0x1C20]  }
0x6a: {  	v12 =	vld [tilespmem:s3+$0x1C30]  }
0x6b: {  	v13 =	vld [tilespmem:s3+$0x1C40];
	v8 =	vadd.f32 v8, v7  }
0x6c: {  	v9 =	vadd.f32 v9, v0;
	v14 =	vld [tilespmem:s3+$0x1C50]  }
0x6d: {  	v10 =	vadd.f32 v10, v1;
	[tilespmem:s3+$0x81F0] =	vst.add.f32.msk $0xffff, v8  }
0x6e: {  	v8 =	vadd.f32 v11, v2;
	v11 =	vld [tilespmem:s3+$0x1C60]  }
0x6f: {  	v12 =	vadd.f32 v12, v3;
	v15 =	vld [tilespmem:s3+$0x1C70]  }
0x70: {  	v13 =	vadd.f32 v13, v4;
	v16 =	vld [tilespmem:s3+$0x1C80]  }
0x71: {  	v14 =	vadd.f32 v14, v5;
	v17 =	vld [tilespmem:s3+$0x1C90]  }
0x72: {  	v18 =	vld [tilespmem:s3+$0x1CA0]  }
0x73: {  	v11 =	vadd.f32 v11, v6;
	v19 =	vld [tilespmem:s3+$0x1CB0]  }
0x74: {  	v15 =	vadd.f32 v15, v7;
	v20 =	vld [tilespmem:s3+$0x1CC0]  }
0x75: {  	v16 =	vadd.f32 v16, v0;
	v21 =	vld [tilespmem:s3+$0x1CD0]  }
0x76: {  	v17 =	vadd.f32 v17, v1;
	v22 =	vld [tilespmem:s3+$0x1CE0]  }
0x77: {  	v18 =	vadd.f32 v18, v2;
	v23 =	vld [tilespmem:s3+$0x1CF0]  }
0x78: {  	v19 =	vadd.f32 v19, v3;
	v24 =	vld [tilespmem:s3+$0x1D00]  }
0x79: {  	v20 =	vadd.f32 v20, v4;
	v25 =	vld [tilespmem:s3+$0x1D10]  }
0x7a: {  	v21 =	vadd.f32 v21, v5;
	v26 =	vld [tilespmem:s3+$0x1D20]  }
0x7b: {  	v22 =	vadd.f32 v22, v6;
	v27 =	vld [tilespmem:s3+$0x1D30]  }
0x7c: {  	v23 =	vadd.f32 v23, v7;
	v28 =	vld [tilespmem:s3+$0x1D40]  }
0x7d: {  	v24 =	vadd.f32 v24, v0;
	v29 =	vld [tilespmem:s3+$0x1D50]  }
0x7e: {  	v25 =	vadd.f32 v25, v1;
	v30 =	vld [tilespmem:s3+$0x1D60]  }
0x7f: {  	v26 =	vadd.f32 v26, v2;
	v31 =	vld [tilespmem:s3+$0x1D70]  }
0x80: {  	v27 =	vadd.f32 v27, v3;
	v32 =	vld [tilespmem:s3+$0x1D80]  }
0x81: {  	v28 =	vadd.f32 v28, v4;
	v33 =	vld [tilespmem:s3+$0x1D90]  }
0x82: {  	v29 =	vadd.f32 v29, v5;
	v34 =	vld [tilespmem:s3+$0x1DA0]  }
0x83: {  	v30 =	vadd.f32 v30, v6;
	v35 =	vld [tilespmem:s3+$0x1DB0]  }
0x84: {  	v31 =	vadd.f32 v31, v7;
	v36 =	vld [tilespmem:s3+$0x1DC0]  }
0x85: {  	v32 =	vadd.f32 v32, v0;
	v37 =	vld [tilespmem:s3+$0x1DD0]  }
0x86: {  	v33 =	vadd.f32 v33, v1;
	v38 =	vld [tilespmem:s3+$0x1DE0]  }
0x87: {  	[tilespmem:s3+$0x8000] =	vst.add.f32.msk $0xffff, v9;
	v9 =	vadd.f32 v34, v2  }
0x88: {  	[tilespmem:s3+$0x8010] =	vst.add.f32.msk $0xffff, v10;
	v10 =	vadd.f32 v35, v3  }
0x89: {  	[tilespmem:s3+$0x8020] =	vst.add.f32.msk $0xffff, v8;
	v34 =	vadd.f32 v36, v4  }
0x8a: {  	[tilespmem:s3+$0x8030] =	vst.add.f32.msk $0xffff, v12;
	v12 =	vadd.f32 v37, v5  }
0x8b: {  	[tilespmem:s3+$0x8040] =	vst.add.f32.msk $0xffff, v13;
	v8 =	vadd.f32 v38, v6  }
0x8c: {  	[tilespmem:s3+$0x8050] =	vst.add.f32.msk $0xffff, v14  }
0x8d: {  	[tilespmem:s3+$0x8060] =	vst.add.f32.msk $0xffff, v11  }
0x8e: {  	[tilespmem:s3+$0x8070] =	vst.add.f32.msk $0xffff, v15  }
0x8f: {  	[tilespmem:s3+$0x8080] =	vst.add.f32.msk $0xffff, v16  }
0x90: {  	[tilespmem:s3+$0x8090] =	vst.add.f32.msk $0xffff, v17  }
0x91: {  	[tilespmem:s3+$0x80A0] =	vst.add.f32.msk $0xffff, v18  }
0x92: {  	[tilespmem:s3+$0x80B0] =	vst.add.f32.msk $0xffff, v19  }
0x93: {  	[tilespmem:s3+$0x80C0] =	vst.add.f32.msk $0xffff, v20  }
0x94: {  	[tilespmem:s3+$0x80D0] =	vst.add.f32.msk $0xffff, v21  }
0x95: {  	[tilespmem:s3+$0x80E0] =	vst.add.f32.msk $0xffff, v22  }
0x96: {  	[tilespmem:s3+$0x80F0] =	vst.add.f32.msk $0xffff, v23  }
0x97: {  	[tilespmem:s3+$0x8100] =	vst.add.f32.msk $0xffff, v24  }
0x98: {  	[tilespmem:s3+$0x8110] =	vst.add.f32.msk $0xffff, v25  }
0x99: {  	[tilespmem:s3+$0x8120] =	vst.add.f32.msk $0xffff, v26  }
0x9a: {  	[tilespmem:s3+$0x8130] =	vst.add.f32.msk $0xffff, v27  }
0x9b: {  	[tilespmem:s3+$0x8140] =	vst.add.f32.msk $0xffff, v28  }
0x9c: {  	[tilespmem:s3+$0x8150] =	vst.add.f32.msk $0xffff, v29  }
0x9d: {  	[tilespmem:s3+$0x8160] =	vst.add.f32.msk $0xffff, v30  }
0x9e: {  	[tilespmem:s3+$0x8170] =	vst.add.f32.msk $0xffff, v31  }
0x9f: {  	[tilespmem:s3+$0x8180] =	vst.add.f32.msk $0xffff, v32  }
.Ltmp0:
0xa0: {  	[tilespmem:s3+$0x8190] =	vst.add.f32.msk $0xffff, v33;
	(pc) =	sbr.rel @p0 .LBB2_3-.Ltmp0, $4  }
0xa1: {  	[tilespmem:s3+$0x81A0] =	vst.add.f32.msk $0xffff, v9  }
0xa2: {  	[tilespmem:s3+$0x81B0] =	vst.add.f32.msk $0xffff, v10  }
0xa3: {  	[tilespmem:s3+$0x81C0] =	vst.add.f32.msk $0xffff, v34  }
0xa4: {  	s2 =	sadd.s32 $0x800, s2;
	[tilespmem:s3+$0x81D0] =	vst.add.f32.msk $0xffff, v12  }
0xa5: {  	s29 =	smul.u32 $0x3, s28;
	_ =	sdelay $0x1  }
0xa6: {  	s0 =	sadd.s32 s7, s29  }
0xa7: {  	s0 =	smul.u32 $0xC80, s0;
	_ =	sdelay $0x1  }
0xa8: {  	[tilespmem:s3+$0x81E0] =	vst.add.f32.msk $0xffff, v8;
	p0 =	seq.s32 s28, $0x0;
	s31 =	sadd.s32 $0x2, s29;
	s0 =	sadd.s32 s4, s0  }
0xa9: {  	[hbm4b:s0+s5] =	stream.linear.scatter [tilespmem:s17], [sflag:$0x4], $0x6400, $0x38;
	[tilespmem:$0x1AC00] =	vst v63  }
0xaa: {  	s2 =	sadd.s32 s7, s31;
	s0 =	simm.s32 @!p0 $0x6  }
0xab: {  	s30 =	smul.u32 $0xC80, s2;
	_ =	swait.ge @!p0 [sflag:s0], $0x6400  }
0xac: {  	[sflag:s0] =	ssyncset.done @!p0 $0x0  }
0xad: {  	s3 =	simm.s32 $0x0;
	s2 =	sadd.s32 s1, s30;
	[sflag:s0] =	ssyncadd.s32 @!p0 $0xFFFF9C00  }
0xae: {  	[tilespmem:s20], [sflag:$0x3] =	stream.linear.gather [hbm4b:s2+s3], $0x6400, $0x38;
	[tilespmem:$0x1AC00] =	vst v63  }
0xaf: {  	s3 =	sadd.s32 $0x1, s29;
	_ =	swait.ge [sflag:s21], $0x6400  }
0xb0: {  	s16 =	sshll.u32 s3, $0x7;
	[sflag:s21] =	ssyncset.done $0x0  }
0xb1: {  	s0 =	sand.u32 $0x3FFFFF80, s16;
	[sflag:s21] =	ssyncadd.s32 $0xFFFF9C00  }
0xb2: {  	v0 =	vld [tilespmem:s0+$0x0]  }
0xb3: {  	v1 =	vld [tilespmem:s0+$0x10]  }
0xb4: {  	v2 =	vld [tilespmem:s0+$0x20]  }
0xb5: {  	v3 =	vld [tilespmem:s0+$0x30]  }
0xb6: {  	v4 =	vld [tilespmem:s0+$0x40]  }
0xb7: {  	v5 =	vld [tilespmem:s0+$0x50]  }
0xb8: {  	v6 =	vld [tilespmem:s0+$0x60]  }
0xb9: {  	v7 =	vld [tilespmem:s0+$0x70];
	s0 =	simm.s32 $0x0  }
0xba: {  	v8 =	vld [tilespmem:s0+$0x1DF0]  }
0xbb: {  	v9 =	vld [tilespmem:s0+$0x1C00]  }
0xbc: {  	v10 =	vld [tilespmem:s0+$0x1C10]  }
0xbd: {  	v11 =	vld [tilespmem:s0+$0x1C20]  }
0xbe: {  	v12 =	vld [tilespmem:s0+$0x1C30]  }
0xbf: {  	v13 =	vld [tilespmem:s0+$0x1C40]  }
0xc0: {  	v14 =	vld [tilespmem:s0+$0x1C50]  }
0xc1: {  	v15 =	vld [tilespmem:s0+$0x1C70]  }
0xc2: {  	v16 =	vld [tilespmem:s0+$0x1C80]  }
0xc3: {  	v17 =	vld [tilespmem:s0+$0x1C90]  }
0xc4: {  	v18 =	vld [tilespmem:s0+$0x1CA0]  }
0xc5: {  	v19 =	vld [tilespmem:s0+$0x1CB0]  }
0xc6: {  	v20 =	vld [tilespmem:s0+$0x1CC0]  }
0xc7: {  	v21 =	vld [tilespmem:s0+$0x1CD0]  }
0xc8: {  	v22 =	vld [tilespmem:s0+$0x1CE0]  }
0xc9: {  	v23 =	vld [tilespmem:s0+$0x1CF0]  }
0xca: {  	v24 =	vld [tilespmem:s0+$0x1D00]  }
0xcb: {  	v25 =	vld [tilespmem:s0+$0x1D10]  }
0xcc: {  	v26 =	vld [tilespmem:s0+$0x1D20]  }
0xcd: {  	v27 =	vld [tilespmem:s0+$0x1D30]  }
0xce: {  	v28 =	vld [tilespmem:s0+$0x1D40]  }
0xcf: {  	v29 =	vld [tilespmem:s0+$0x1D50]  }
0xd0: {  	v30 =	vld [tilespmem:s0+$0x1D60]  }
0xd1: {  	v31 =	vld [tilespmem:s0+$0x1D70]  }
0xd2: {  	v32 =	vld [tilespmem:s0+$0x1D80]  }
0xd3: {  	v33 =	vld [tilespmem:s0+$0x1D90]  }
0xd4: {  	v34 =	vld [tilespmem:s0+$0x1DA0]  }
0xd5: {  	v35 =	vld [tilespmem:s0+$0x1DB0]  }
0xd6: {  	v36 =	vld [tilespmem:s0+$0x1DC0]  }
0xd7: {  	v37 =	vld [tilespmem:s0+$0x1DD0];
	v8 =	vadd.f32 v8, v7  }
0xd8: {  	v38 =	vld [tilespmem:s0+$0x1DE0]  }
0xd9: {  	v9 =	vadd.f32 v9, v0;
	[tilespmem:s0+$0xE5F0] =	vst.add.f32.msk $0xffff, v8  }
0xda: {  	v10 =	vadd.f32 v10, v1;
	v8 =	vld [tilespmem:s0+$0x1C60]  }
0xdb: {  	v11 =	vadd.f32 v11, v2;
	[tilespmem:s0+$0xE400] =	vst.add.f32.msk $0xffff, v9  }
0xdc: {  	v9 =	vadd.f32 v12, v3;
	[tilespmem:s0+$0xE410] =	vst.add.f32.msk $0xffff, v10  }
0xdd: {  	v10 =	vadd.f32 v13, v4;
	[tilespmem:s0+$0xE420] =	vst.add.f32.msk $0xffff, v11  }
0xde: {  	v11 =	vadd.f32 v14, v5;
	[tilespmem:s0+$0xE430] =	vst.add.f32.msk $0xffff, v9  }
0xdf: {  	[tilespmem:s0+$0xE440] =	vst.add.f32.msk $0xffff, v10;
	v9 =	vadd.f32 v15, v7  }
0xe0: {  	[tilespmem:s0+$0xE450] =	vst.add.f32.msk $0xffff, v11;
	v10 =	vadd.f32 v16, v0  }
0xe1: {  	[tilespmem:s0+$0xE470] =	vst.add.f32.msk $0xffff, v9;
	v9 =	vadd.f32 v18, v2  }
0xe2: {  	[tilespmem:s0+$0xE480] =	vst.add.f32.msk $0xffff, v10;
	v10 =	vadd.f32 v19, v3  }
0xe3: {  	v8 =	vadd.f32 v8, v6;
	[tilespmem:s0+$0xE4A0] =	vst.add.f32.msk $0xffff, v9  }
0xe4: {  	v9 =	vadd.f32 v21, v5;
	[tilespmem:s0+$0xE4B0] =	vst.add.f32.msk $0xffff, v10  }
0xe5: {  	v10 =	vadd.f32 v22, v6;
	[tilespmem:s0+$0xE460] =	vst.add.f32.msk $0xffff, v8  }
0xe6: {  	v8 =	vadd.f32 v17, v1;
	[tilespmem:s0+$0xE4D0] =	vst.add.f32.msk $0xffff, v9  }
0xe7: {  	v9 =	vadd.f32 v24, v0;
	[tilespmem:s0+$0xE4E0] =	vst.add.f32.msk $0xffff, v10  }
0xe8: {  	v10 =	vadd.f32 v25, v1;
	[tilespmem:s0+$0xE490] =	vst.add.f32.msk $0xffff, v8  }
0xe9: {  	v8 =	vadd.f32 v20, v4;
	[tilespmem:s0+$0xE500] =	vst.add.f32.msk $0xffff, v9  }
0xea: {  	v9 =	vadd.f32 v27, v3;
	[tilespmem:s0+$0xE510] =	vst.add.f32.msk $0xffff, v10  }
0xeb: {  	v10 =	vadd.f32 v28, v4;
	[tilespmem:s0+$0xE4C0] =	vst.add.f32.msk $0xffff, v8  }
0xec: {  	v8 =	vadd.f32 v23, v7;
	[tilespmem:s0+$0xE530] =	vst.add.f32.msk $0xffff, v9  }
0xed: {  	v9 =	vadd.f32 v30, v6;
	[tilespmem:s0+$0xE540] =	vst.add.f32.msk $0xffff, v10  }
0xee: {  	v10 =	vadd.f32 v31, v7;
	[tilespmem:s0+$0xE4F0] =	vst.add.f32.msk $0xffff, v8  }
0xef: {  	v8 =	vadd.f32 v26, v2;
	[tilespmem:s0+$0xE560] =	vst.add.f32.msk $0xffff, v9  }
0xf0: {  	v9 =	vadd.f32 v33, v1;
	[tilespmem:s0+$0xE570] =	vst.add.f32.msk $0xffff, v10  }
0xf1: {  	[tilespmem:s0+$0xE520] =	vst.add.f32.msk $0xffff, v8;
	v8 =	vadd.f32 v29, v5  }
0xf2: {  	v10 =	vadd.f32 v34, v2;
	[tilespmem:s0+$0xE590] =	vst.add.f32.msk $0xffff, v9  }
0xf3: {  	[tilespmem:s0+$0xE550] =	vst.add.f32.msk $0xffff, v8;
	v8 =	vadd.f32 v32, v0  }
0xf4: {  	v9 =	vadd.f32 v36, v4;
	[tilespmem:s0+$0xE5A0] =	vst.add.f32.msk $0xffff, v10  }
0xf5: {  	[tilespmem:s0+$0xE580] =	vst.add.f32.msk $0xffff, v8;
	v8 =	vadd.f32 v35, v3  }
0xf6: {  	v10 =	vadd.f32 v37, v5;
	[tilespmem:s0+$0xE5C0] =	vst.add.f32.msk $0xffff, v9  }
0xf7: {  	[tilespmem:s0+$0xE5B0] =	vst.add.f32.msk $0xffff, v8;
	v8 =	vadd.f32 v38, v6  }
0xf8: {  	s2 =	simm.s32 $0x0;
	s16 =	simm.s32 $0x800;
	[tilespmem:s0+$0xE5D0] =	vst.add.f32.msk $0xffff, v10  }
.LBB2_5:
0xf9: {  	s2 =	sadd.s32 $0x4, s2;
	[tilespmem:s0+$0xE5E0] =	vst.add.f32.msk $0xffff, v8;
	s0 =	sshra.s32 s16, $0x2  }
0xfa: {  	v8 =	vld [tilespmem:s0+$0x1DF0];
	p0 =	slt.u32 s2, $0xC4  }
0xfb: {  	v9 =	vld [tilespmem:s0+$0x1C00]  }
0xfc: {  	v10 =	vld [tilespmem:s0+$0x1C10]  }
0xfd: {  	v11 =	vld [tilespmem:s0+$0x1C20]  }
0xfe: {  	v12 =	vld [tilespmem:s0+$0x1C30]  }
0xff: {  	v13 =	vld [tilespmem:s0+$0x1C40];
	v8 =	vadd.f32 v8, v7  }
0x100: {  	v9 =	vadd.f32 v9, v0;
	v14 =	vld [tilespmem:s0+$0x1C50]  }
0x101: {  	v10 =	vadd.f32 v10, v1;
	[tilespmem:s0+$0xE5F0] =	vst.add.f32.msk $0xffff, v8  }
0x102: {  	v8 =	vadd.f32 v11, v2;
	v11 =	vld [tilespmem:s0+$0x1C60]  }
0x103: {  	v12 =	vadd.f32 v12, v3;
	v15 =	vld [tilespmem:s0+$0x1C70]  }
0x104: {  	v13 =	vadd.f32 v13, v4;
	v16 =	vld [tilespmem:s0+$0x1C80]  }
0x105: {  	v14 =	vadd.f32 v14, v5;
	v17 =	vld [tilespmem:s0+$0x1C90]  }
0x106: {  	v18 =	vld [tilespmem:s0+$0x1CA0]  }
0x107: {  	v11 =	vadd.f32 v11, v6;
	v19 =	vld [tilespmem:s0+$0x1CB0]  }
0x108: {  	v15 =	vadd.f32 v15, v7;
	v20 =	vld [tilespmem:s0+$0x1CC0]  }
0x109: {  	v16 =	vadd.f32 v16, v0;
	v21 =	vld [tilespmem:s0+$0x1CD0]  }
0x10a: {  	v17 =	vadd.f32 v17, v1;
	v22 =	vld [tilespmem:s0+$0x1CE0]  }
0x10b: {  	v18 =	vadd.f32 v18, v2;
	v23 =	vld [tilespmem:s0+$0x1CF0]  }
0x10c: {  	v19 =	vadd.f32 v19, v3;
	v24 =	vld [tilespmem:s0+$0x1D00]  }
0x10d: {  	v20 =	vadd.f32 v20, v4;
	v25 =	vld [tilespmem:s0+$0x1D10]  }
0x10e: {  	v21 =	vadd.f32 v21, v5;
	v26 =	vld [tilespmem:s0+$0x1D20]  }
0x10f: {  	v22 =	vadd.f32 v22, v6;
	v27 =	vld [tilespmem:s0+$0x1D30]  }
0x110: {  	v23 =	vadd.f32 v23, v7;
	v28 =	vld [tilespmem:s0+$0x1D40]  }
0x111: {  	v24 =	vadd.f32 v24, v0;
	v29 =	vld [tilespmem:s0+$0x1D50]  }
0x112: {  	v25 =	vadd.f32 v25, v1;
	v30 =	vld [tilespmem:s0+$0x1D60]  }
0x113: {  	v26 =	vadd.f32 v26, v2;
	v31 =	vld [tilespmem:s0+$0x1D70]  }
0x114: {  	v27 =	vadd.f32 v27, v3;
	v32 =	vld [tilespmem:s0+$0x1D80]  }
0x115: {  	v28 =	vadd.f32 v28, v4;
	v33 =	vld [tilespmem:s0+$0x1D90]  }
0x116: {  	v29 =	vadd.f32 v29, v5;
	v34 =	vld [tilespmem:s0+$0x1DA0]  }
0x117: {  	v30 =	vadd.f32 v30, v6;
	v35 =	vld [tilespmem:s0+$0x1DB0]  }
0x118: {  	v31 =	vadd.f32 v31, v7;
	v36 =	vld [tilespmem:s0+$0x1DC0]  }
0x119: {  	v32 =	vadd.f32 v32, v0;
	v37 =	vld [tilespmem:s0+$0x1DD0]  }
0x11a: {  	v33 =	vadd.f32 v33, v1;
	v38 =	vld [tilespmem:s0+$0x1DE0]  }
0x11b: {  	[tilespmem:s0+$0xE400] =	vst.add.f32.msk $0xffff, v9;
	v9 =	vadd.f32 v34, v2  }
0x11c: {  	[tilespmem:s0+$0xE410] =	vst.add.f32.msk $0xffff, v10;
	v10 =	vadd.f32 v35, v3  }
0x11d: {  	[tilespmem:s0+$0xE420] =	vst.add.f32.msk $0xffff, v8;
	v34 =	vadd.f32 v36, v4  }
0x11e: {  	[tilespmem:s0+$0xE430] =	vst.add.f32.msk $0xffff, v12;
	v12 =	vadd.f32 v37, v5  }
0x11f: {  	[tilespmem:s0+$0xE440] =	vst.add.f32.msk $0xffff, v13;
	v8 =	vadd.f32 v38, v6  }
0x120: {  	[tilespmem:s0+$0xE450] =	vst.add.f32.msk $0xffff, v14  }
0x121: {  	[tilespmem:s0+$0xE460] =	vst.add.f32.msk $0xffff, v11  }
0x122: {  	[tilespmem:s0+$0xE470] =	vst.add.f32.msk $0xffff, v15  }
0x123: {  	[tilespmem:s0+$0xE480] =	vst.add.f32.msk $0xffff, v16  }
0x124: {  	[tilespmem:s0+$0xE490] =	vst.add.f32.msk $0xffff, v17  }
0x125: {  	[tilespmem:s0+$0xE4A0] =	vst.add.f32.msk $0xffff, v18  }
0x126: {  	[tilespmem:s0+$0xE4B0] =	vst.add.f32.msk $0xffff, v19  }
0x127: {  	[tilespmem:s0+$0xE4C0] =	vst.add.f32.msk $0xffff, v20  }
0x128: {  	[tilespmem:s0+$0xE4D0] =	vst.add.f32.msk $0xffff, v21  }
0x129: {  	[tilespmem:s0+$0xE4E0] =	vst.add.f32.msk $0xffff, v22  }
0x12a: {  	[tilespmem:s0+$0xE4F0] =	vst.add.f32.msk $0xffff, v23  }
0x12b: {  	[tilespmem:s0+$0xE500] =	vst.add.f32.msk $0xffff, v24  }
0x12c: {  	[tilespmem:s0+$0xE510] =	vst.add.f32.msk $0xffff, v25  }
0x12d: {  	[tilespmem:s0+$0xE520] =	vst.add.f32.msk $0xffff, v26  }
0x12e: {  	[tilespmem:s0+$0xE530] =	vst.add.f32.msk $0xffff, v27  }
0x12f: {  	[tilespmem:s0+$0xE540] =	vst.add.f32.msk $0xffff, v28  }
0x130: {  	[tilespmem:s0+$0xE550] =	vst.add.f32.msk $0xffff, v29  }
0x131: {  	[tilespmem:s0+$0xE560] =	vst.add.f32.msk $0xffff, v30  }
0x132: {  	[tilespmem:s0+$0xE570] =	vst.add.f32.msk $0xffff, v31  }
0x133: {  	[tilespmem:s0+$0xE580] =	vst.add.f32.msk $0xffff, v32  }
.Ltmp1:
0x134: {  	[tilespmem:s0+$0xE590] =	vst.add.f32.msk $0xffff, v33;
	(pc) =	sbr.rel @p0 .LBB2_5-.Ltmp1, $4  }
0x135: {  	[tilespmem:s0+$0xE5A0] =	vst.add.f32.msk $0xffff, v9  }
0x136: {  	[tilespmem:s0+$0xE5B0] =	vst.add.f32.msk $0xffff, v10  }
0x137: {  	[tilespmem:s0+$0xE5C0] =	vst.add.f32.msk $0xffff, v34  }
0x138: {  	s16 =	sadd.s32 $0x800, s16;
	[tilespmem:s0+$0xE5D0] =	vst.add.f32.msk $0xffff, v12  }
0x139: {  	s2 =	sadd.s32 s7, s3  }
0x13a: {  	s2 =	smul.u32 $0xC80, s2;
	_ =	sdelay $0x1  }
0x13b: {  	[tilespmem:s0+$0xE5E0] =	vst.add.f32.msk $0xffff, v8;
	s3 =	simm.s32 $0x0;
	s16 =	sadd.s32 s29, s10;
	s2 =	sadd.s32 s4, s2  }
0x13c: {  	[hbm4b:s2+s3] =	stream.linear.scatter [tilespmem:s18], [sflag:$0x5], $0x6400, $0x38;
	[tilespmem:$0x1AC00] =	vst v63  }
0x13d: {  	s0 =	smul.u32 $0xC80, s16;
	_ =	swait.ge [sflag:s22], $0x6400  }
0x13e: {  	[sflag:s22] =	ssyncset.done $0x0  }
0x13f: {  	s0 =	sadd.s32 s1, s0;
	[sflag:s22] =	ssyncadd.s32 $0xFFFF9C00  }
0x140: {  	[tilespmem:s17], [sflag:$0x1] =	stream.linear.gather [hbm4b:s0+s3], $0x6400, $0x38;
	[tilespmem:$0x1AC00] =	vst v63  }
0x141: {  	_ =	swait.ge [sflag:s23], $0x6400  }
0x142: {  	s31 =	sshll.u32 s31, $0x7;
	[sflag:s23] =	ssyncset.done $0x0  }
0x143: {  	s0 =	sand.u32 $0x3FFFFF80, s31;
	[sflag:s23] =	ssyncadd.s32 $0xFFFF9C00  }
0x144: {  	v0 =	vld [tilespmem:s0+$0x0]  }
0x145: {  	v1 =	vld [tilespmem:s0+$0x10]  }
0x146: {  	v2 =	vld [tilespmem:s0+$0x20]  }
0x147: {  	v3 =	vld [tilespmem:s0+$0x30]  }
0x148: {  	v4 =	vld [tilespmem:s0+$0x40]  }
0x149: {  	v5 =	vld [tilespmem:s0+$0x50]  }
0x14a: {  	v6 =	vld [tilespmem:s0+$0x60]  }
0x14b: {  	v7 =	vld [tilespmem:s0+$0x70];
	s0 =	simm.s32 $0x0  }
0x14c: {  	v8 =	vld [tilespmem:s0+$0x1DF0]  }
0x14d: {  	v9 =	vld [tilespmem:s0+$0x1C00]  }
0x14e: {  	v10 =	vld [tilespmem:s0+$0x1C10]  }
0x14f: {  	v11 =	vld [tilespmem:s0+$0x1C20]  }
0x150: {  	v12 =	vld [tilespmem:s0+$0x1C30]  }
0x151: {  	v13 =	vld [tilespmem:s0+$0x1C40]  }
0x152: {  	v14 =	vld [tilespmem:s0+$0x1C50]  }
0x153: {  	v15 =	vld [tilespmem:s0+$0x1C70]  }
0x154: {  	v16 =	vld [tilespmem:s0+$0x1C80]  }
0x155: {  	v17 =	vld [tilespmem:s0+$0x1C90]  }
0x156: {  	v18 =	vld [tilespmem:s0+$0x1CA0]  }
0x157: {  	v19 =	vld [tilespmem:s0+$0x1CB0]  }
0x158: {  	v20 =	vld [tilespmem:s0+$0x1CC0]  }
0x159: {  	v21 =	vld [tilespmem:s0+$0x1CD0]  }
0x15a: {  	v22 =	vld [tilespmem:s0+$0x1CE0]  }
0x15b: {  	v23 =	vld [tilespmem:s0+$0x1CF0]  }
0x15c: {  	v24 =	vld [tilespmem:s0+$0x1D00]  }
0x15d: {  	v25 =	vld [tilespmem:s0+$0x1D10]  }
0x15e: {  	v26 =	vld [tilespmem:s0+$0x1D20]  }
0x15f: {  	v27 =	vld [tilespmem:s0+$0x1D30]  }
0x160: {  	v28 =	vld [tilespmem:s0+$0x1D40]  }
0x161: {  	v29 =	vld [tilespmem:s0+$0x1D50]  }
0x162: {  	v30 =	vld [tilespmem:s0+$0x1D60]  }
0x163: {  	v31 =	vld [tilespmem:s0+$0x1D70]  }
0x164: {  	v32 =	vld [tilespmem:s0+$0x1D80]  }
0x165: {  	v33 =	vld [tilespmem:s0+$0x1D90]  }
0x166: {  	v34 =	vld [tilespmem:s0+$0x1DA0]  }
0x167: {  	v35 =	vld [tilespmem:s0+$0x1DB0]  }
0x168: {  	v36 =	vld [tilespmem:s0+$0x1DC0]  }
0x169: {  	v37 =	vld [tilespmem:s0+$0x1DD0];
	v8 =	vadd.f32 v8, v7  }
0x16a: {  	v38 =	vld [tilespmem:s0+$0x1DE0]  }
0x16b: {  	v9 =	vadd.f32 v9, v0;
	[tilespmem:s0+$0x149F0] =	vst.add.f32.msk $0xffff, v8  }
0x16c: {  	v10 =	vadd.f32 v10, v1;
	v8 =	vld [tilespmem:s0+$0x1C60]  }
0x16d: {  	v11 =	vadd.f32 v11, v2;
	[tilespmem:s0+$0x14800] =	vst.add.f32.msk $0xffff, v9  }
0x16e: {  	v9 =	vadd.f32 v12, v3;
	[tilespmem:s0+$0x14810] =	vst.add.f32.msk $0xffff, v10  }
0x16f: {  	v10 =	vadd.f32 v13, v4;
	[tilespmem:s0+$0x14820] =	vst.add.f32.msk $0xffff, v11  }
0x170: {  	v11 =	vadd.f32 v14, v5;
	[tilespmem:s0+$0x14830] =	vst.add.f32.msk $0xffff, v9  }
0x171: {  	[tilespmem:s0+$0x14840] =	vst.add.f32.msk $0xffff, v10;
	v9 =	vadd.f32 v15, v7  }
0x172: {  	[tilespmem:s0+$0x14850] =	vst.add.f32.msk $0xffff, v11;
	v10 =	vadd.f32 v16, v0  }
0x173: {  	[tilespmem:s0+$0x14870] =	vst.add.f32.msk $0xffff, v9;
	v9 =	vadd.f32 v18, v2  }
0x174: {  	[tilespmem:s0+$0x14880] =	vst.add.f32.msk $0xffff, v10;
	v10 =	vadd.f32 v19, v3  }
0x175: {  	v8 =	vadd.f32 v8, v6;
	[tilespmem:s0+$0x148A0] =	vst.add.f32.msk $0xffff, v9  }
0x176: {  	v9 =	vadd.f32 v21, v5;
	[tilespmem:s0+$0x148B0] =	vst.add.f32.msk $0xffff, v10  }
0x177: {  	v10 =	vadd.f32 v22, v6;
	[tilespmem:s0+$0x14860] =	vst.add.f32.msk $0xffff, v8  }
0x178: {  	v8 =	vadd.f32 v17, v1;
	[tilespmem:s0+$0x148D0] =	vst.add.f32.msk $0xffff, v9  }
0x179: {  	v9 =	vadd.f32 v24, v0;
	[tilespmem:s0+$0x148E0] =	vst.add.f32.msk $0xffff, v10  }
0x17a: {  	v10 =	vadd.f32 v25, v1;
	[tilespmem:s0+$0x14890] =	vst.add.f32.msk $0xffff, v8  }
0x17b: {  	v8 =	vadd.f32 v20, v4;
	[tilespmem:s0+$0x14900] =	vst.add.f32.msk $0xffff, v9  }
0x17c: {  	v9 =	vadd.f32 v27, v3;
	[tilespmem:s0+$0x14910] =	vst.add.f32.msk $0xffff, v10  }
0x17d: {  	v10 =	vadd.f32 v28, v4;
	[tilespmem:s0+$0x148C0] =	vst.add.f32.msk $0xffff, v8  }
0x17e: {  	v8 =	vadd.f32 v23, v7;
	[tilespmem:s0+$0x14930] =	vst.add.f32.msk $0xffff, v9  }
0x17f: {  	v9 =	vadd.f32 v30, v6;
	[tilespmem:s0+$0x14940] =	vst.add.f32.msk $0xffff, v10  }
0x180: {  	v10 =	vadd.f32 v31, v7;
	[tilespmem:s0+$0x148F0] =	vst.add.f32.msk $0xffff, v8  }
0x181: {  	v8 =	vadd.f32 v26, v2;
	[tilespmem:s0+$0x14960] =	vst.add.f32.msk $0xffff, v9  }
0x182: {  	v9 =	vadd.f32 v33, v1;
	[tilespmem:s0+$0x14970] =	vst.add.f32.msk $0xffff, v10  }
0x183: {  	[tilespmem:s0+$0x14920] =	vst.add.f32.msk $0xffff, v8;
	v8 =	vadd.f32 v29, v5  }
0x184: {  	v10 =	vadd.f32 v34, v2;
	[tilespmem:s0+$0x14990] =	vst.add.f32.msk $0xffff, v9  }
0x185: {  	[tilespmem:s0+$0x14950] =	vst.add.f32.msk $0xffff, v8;
	v8 =	vadd.f32 v32, v0  }
0x186: {  	v9 =	vadd.f32 v36, v4;
	[tilespmem:s0+$0x149A0] =	vst.add.f32.msk $0xffff, v10  }
0x187: {  	[tilespmem:s0+$0x14980] =	vst.add.f32.msk $0xffff, v8;
	v8 =	vadd.f32 v35, v3  }
0x188: {  	v10 =	vadd.f32 v37, v5;
	[tilespmem:s0+$0x149C0] =	vst.add.f32.msk $0xffff, v9  }
0x189: {  	[tilespmem:s0+$0x149B0] =	vst.add.f32.msk $0xffff, v8;
	v8 =	vadd.f32 v38, v6  }
0x18a: {  	s2 =	simm.s32 $0x0;
	s3 =	simm.s32 $0x800;
	[tilespmem:s0+$0x149D0] =	vst.add.f32.msk $0xffff, v10  }
.LBB2_7:
0x18b: {  	s2 =	sadd.s32 $0x4, s2;
	[tilespmem:s0+$0x149E0] =	vst.add.f32.msk $0xffff, v8;
	s0 =	sshra.s32 s3, $0x2  }
0x18c: {  	v8 =	vld [tilespmem:s0+$0x1DF0];
	p0 =	slt.u32 s2, $0xC4  }
0x18d: {  	v9 =	vld [tilespmem:s0+$0x1C00]  }
0x18e: {  	v10 =	vld [tilespmem:s0+$0x1C10]  }
0x18f: {  	v11 =	vld [tilespmem:s0+$0x1C20]  }
0x190: {  	v12 =	vld [tilespmem:s0+$0x1C30]  }
0x191: {  	v13 =	vld [tilespmem:s0+$0x1C40];
	v8 =	vadd.f32 v8, v7  }
0x192: {  	v9 =	vadd.f32 v9, v0;
	v14 =	vld [tilespmem:s0+$0x1C50]  }
0x193: {  	v10 =	vadd.f32 v10, v1;
	[tilespmem:s0+$0x149F0] =	vst.add.f32.msk $0xffff, v8  }
0x194: {  	v8 =	vadd.f32 v11, v2;
	v11 =	vld [tilespmem:s0+$0x1C60]  }
0x195: {  	v12 =	vadd.f32 v12, v3;
	v15 =	vld [tilespmem:s0+$0x1C70]  }
0x196: {  	v13 =	vadd.f32 v13, v4;
	v16 =	vld [tilespmem:s0+$0x1C80]  }
0x197: {  	v14 =	vadd.f32 v14, v5;
	v17 =	vld [tilespmem:s0+$0x1C90]  }
0x198: {  	v18 =	vld [tilespmem:s0+$0x1CA0]  }
0x199: {  	v11 =	vadd.f32 v11, v6;
	v19 =	vld [tilespmem:s0+$0x1CB0]  }
0x19a: {  	v15 =	vadd.f32 v15, v7;
	v20 =	vld [tilespmem:s0+$0x1CC0]  }
0x19b: {  	v16 =	vadd.f32 v16, v0;
	v21 =	vld [tilespmem:s0+$0x1CD0]  }
0x19c: {  	v17 =	vadd.f32 v17, v1;
	v22 =	vld [tilespmem:s0+$0x1CE0]  }
0x19d: {  	v18 =	vadd.f32 v18, v2;
	v23 =	vld [tilespmem:s0+$0x1CF0]  }
0x19e: {  	v19 =	vadd.f32 v19, v3;
	v24 =	vld [tilespmem:s0+$0x1D00]  }
0x19f: {  	v20 =	vadd.f32 v20, v4;
	v25 =	vld [tilespmem:s0+$0x1D10]  }
0x1a0: {  	v21 =	vadd.f32 v21, v5;
	v26 =	vld [tilespmem:s0+$0x1D20]  }
0x1a1: {  	v22 =	vadd.f32 v22, v6;
	v27 =	vld [tilespmem:s0+$0x1D30]  }
0x1a2: {  	v23 =	vadd.f32 v23, v7;
	v28 =	vld [tilespmem:s0+$0x1D40]  }
0x1a3: {  	v24 =	vadd.f32 v24, v0;
	v29 =	vld [tilespmem:s0+$0x1D50]  }
0x1a4: {  	v25 =	vadd.f32 v25, v1;
	v30 =	vld [tilespmem:s0+$0x1D60]  }
0x1a5: {  	v26 =	vadd.f32 v26, v2;
	v31 =	vld [tilespmem:s0+$0x1D70]  }
0x1a6: {  	v27 =	vadd.f32 v27, v3;
	v32 =	vld [tilespmem:s0+$0x1D80]  }
0x1a7: {  	v28 =	vadd.f32 v28, v4;
	v33 =	vld [tilespmem:s0+$0x1D90]  }
0x1a8: {  	v29 =	vadd.f32 v29, v5;
	v34 =	vld [tilespmem:s0+$0x1DA0]  }
0x1a9: {  	v30 =	vadd.f32 v30, v6;
	v35 =	vld [tilespmem:s0+$0x1DB0]  }
0x1aa: {  	v31 =	vadd.f32 v31, v7;
	v36 =	vld [tilespmem:s0+$0x1DC0]  }
0x1ab: {  	v32 =	vadd.f32 v32, v0;
	v37 =	vld [tilespmem:s0+$0x1DD0]  }
0x1ac: {  	v33 =	vadd.f32 v33, v1;
	v38 =	vld [tilespmem:s0+$0x1DE0]  }
0x1ad: {  	[tilespmem:s0+$0x14800] =	vst.add.f32.msk $0xffff, v9;
	v9 =	vadd.f32 v34, v2  }
0x1ae: {  	[tilespmem:s0+$0x14810] =	vst.add.f32.msk $0xffff, v10;
	v10 =	vadd.f32 v35, v3  }
0x1af: {  	[tilespmem:s0+$0x14820] =	vst.add.f32.msk $0xffff, v8;
	v34 =	vadd.f32 v36, v4  }
0x1b0: {  	[tilespmem:s0+$0x14830] =	vst.add.f32.msk $0xffff, v12;
	v12 =	vadd.f32 v37, v5  }
0x1b1: {  	[tilespmem:s0+$0x14840] =	vst.add.f32.msk $0xffff, v13;
	v8 =	vadd.f32 v38, v6  }
0x1b2: {  	[tilespmem:s0+$0x14850] =	vst.add.f32.msk $0xffff, v14  }
0x1b3: {  	[tilespmem:s0+$0x14860] =	vst.add.f32.msk $0xffff, v11  }
0x1b4: {  	[tilespmem:s0+$0x14870] =	vst.add.f32.msk $0xffff, v15  }
0x1b5: {  	[tilespmem:s0+$0x14880] =	vst.add.f32.msk $0xffff, v16  }
0x1b6: {  	[tilespmem:s0+$0x14890] =	vst.add.f32.msk $0xffff, v17  }
0x1b7: {  	[tilespmem:s0+$0x148A0] =	vst.add.f32.msk $0xffff, v18  }
0x1b8: {  	[tilespmem:s0+$0x148B0] =	vst.add.f32.msk $0xffff, v19  }
0x1b9: {  	[tilespmem:s0+$0x148C0] =	vst.add.f32.msk $0xffff, v20  }
0x1ba: {  	[tilespmem:s0+$0x148D0] =	vst.add.f32.msk $0xffff, v21  }
0x1bb: {  	[tilespmem:s0+$0x148E0] =	vst.add.f32.msk $0xffff, v22  }
0x1bc: {  	[tilespmem:s0+$0x148F0] =	vst.add.f32.msk $0xffff, v23  }
0x1bd: {  	[tilespmem:s0+$0x14900] =	vst.add.f32.msk $0xffff, v24  }
0x1be: {  	[tilespmem:s0+$0x14910] =	vst.add.f32.msk $0xffff, v25  }
0x1bf: {  	[tilespmem:s0+$0x14920] =	vst.add.f32.msk $0xffff, v26  }
0x1c0: {  	[tilespmem:s0+$0x14930] =	vst.add.f32.msk $0xffff, v27  }
0x1c1: {  	[tilespmem:s0+$0x14940] =	vst.add.f32.msk $0xffff, v28  }
0x1c2: {  	[tilespmem:s0+$0x14950] =	vst.add.f32.msk $0xffff, v29  }
0x1c3: {  	[tilespmem:s0+$0x14960] =	vst.add.f32.msk $0xffff, v30  }
0x1c4: {  	[tilespmem:s0+$0x14970] =	vst.add.f32.msk $0xffff, v31  }
0x1c5: {  	[tilespmem:s0+$0x14980] =	vst.add.f32.msk $0xffff, v32  }
.Ltmp2:
0x1c6: {  	[tilespmem:s0+$0x14990] =	vst.add.f32.msk $0xffff, v33;
	(pc) =	sbr.rel @p0 .LBB2_7-.Ltmp2, $4  }
0x1c7: {  	[tilespmem:s0+$0x149A0] =	vst.add.f32.msk $0xffff, v9  }
0x1c8: {  	[tilespmem:s0+$0x149B0] =	vst.add.f32.msk $0xffff, v10  }
0x1c9: {  	[tilespmem:s0+$0x149C0] =	vst.add.f32.msk $0xffff, v34  }
0x1ca: {  	s3 =	sadd.s32 $0x800, s3;
	[tilespmem:s0+$0x149D0] =	vst.add.f32.msk $0xffff, v12  }
0x1cb: {  	[tilespmem:s0+$0x149E0] =	vst.add.f32.msk $0xffff, v8;
	s30 =	sadd.s32 s4, s30;
	s28 =	sadd.s32 $0x1, s28  }
0x1cc: {  	[hbm4b:s30+s5] =	stream.linear.scatter [tilespmem:s20], [sflag:$0x6], $0x6400, $0x38;
	[tilespmem:$0x1AC00] =	vst v63  }
0x1cd: {  	p0 =	sne.s32 s28, $0x10  }
.Ltmp3:
0x1ce: {  	s31 =	sadd.s32 s29, s11;
	(pc) =	sbr.rel @p0 .LBB2_2-.Ltmp3, $4  }
0x1cf: {  	s0 =	smul.u32 $0xC80, s31;
	_ =	swait.ge [sflag:s24], $0x6400  }
0x1d0: {  	[sflag:s24] =	ssyncset.done $0x0  }
0x1d1: {  	s0 =	sadd.s32 s1, s0;
	[sflag:s24] =	ssyncadd.s32 $0xFFFF9C00  }
0x1d2: {  	[tilespmem:s18], [sflag:$0x2] =	stream.linear.gather [hbm4b:s0+s5], $0x6400, $0x38;
	[tilespmem:$0x1AC00] =	vst v63  }
0x1d3: {  	_ =	swait.ge [sflag:s19], $0x6400  }
0x1d4: {  	[sflag:s19] =	ssyncset.done $0x0  }
0x1d5: {  	[sflag:s19] =	ssyncadd.s32 $0xFFFF9C00  }
0x1d6: {  	v0 =	vld [tilespmem:$0x1800]  }
0x1d7: {  	v1 =	vld [tilespmem:$0x1810]  }
0x1d8: {  	v2 =	vld [tilespmem:$0x1820]  }
0x1d9: {  	v3 =	vld [tilespmem:$0x1830]  }
0x1da: {  	v4 =	vld [tilespmem:$0x1840]  }
0x1db: {  	v5 =	vld [tilespmem:$0x1850]  }
0x1dc: {  	v6 =	vld [tilespmem:$0x1860]  }
0x1dd: {  	s0 =	simm.s32 $0x0;
	v7 =	vld [tilespmem:$0x1870]  }
0x1de: {  	v8 =	vld [tilespmem:s0+$0x1DF0]  }
0x1df: {  	v9 =	vld [tilespmem:s0+$0x1C00]  }
0x1e0: {  	v10 =	vld [tilespmem:s0+$0x1C10]  }
0x1e1: {  	v11 =	vld [tilespmem:s0+$0x1C20]  }
0x1e2: {  	v12 =	vld [tilespmem:s0+$0x1C30]  }
0x1e3: {  	v13 =	vld [tilespmem:s0+$0x1C40]  }
0x1e4: {  	v14 =	vld [tilespmem:s0+$0x1C50]  }
0x1e5: {  	v15 =	vld [tilespmem:s0+$0x1C70]  }
0x1e6: {  	v16 =	vld [tilespmem:s0+$0x1C80]  }
0x1e7: {  	v17 =	vld [tilespmem:s0+$0x1C90]  }
0x1e8: {  	v18 =	vld [tilespmem:s0+$0x1CA0]  }
0x1e9: {  	v19 =	vld [tilespmem:s0+$0x1CB0]  }
0x1ea: {  	v20 =	vld [tilespmem:s0+$0x1CC0]  }
0x1eb: {  	v21 =	vld [tilespmem:s0+$0x1CD0]  }
0x1ec: {  	v22 =	vld [tilespmem:s0+$0x1CE0]  }
0x1ed: {  	v23 =	vld [tilespmem:s0+$0x1CF0]  }
0x1ee: {  	v24 =	vld [tilespmem:s0+$0x1D00]  }
0x1ef: {  	v25 =	vld [tilespmem:s0+$0x1D10]  }
0x1f0: {  	v26 =	vld [tilespmem:s0+$0x1D20]  }
0x1f1: {  	v27 =	vld [tilespmem:s0+$0x1D30]  }
0x1f2: {  	v28 =	vld [tilespmem:s0+$0x1D40]  }
0x1f3: {  	v29 =	vld [tilespmem:s0+$0x1D50]  }
0x1f4: {  	v30 =	vld [tilespmem:s0+$0x1D60]  }
0x1f5: {  	v31 =	vld [tilespmem:s0+$0x1D70]  }
0x1f6: {  	v32 =	vld [tilespmem:s0+$0x1D80]  }
0x1f7: {  	v33 =	vld [tilespmem:s0+$0x1D90]  }
0x1f8: {  	v34 =	vld [tilespmem:s0+$0x1DA0]  }
0x1f9: {  	v35 =	vld [tilespmem:s0+$0x1DB0]  }
0x1fa: {  	v36 =	vld [tilespmem:s0+$0x1DC0]  }
0x1fb: {  	v37 =	vld [tilespmem:s0+$0x1DD0];
	v8 =	vadd.f32 v8, v7  }
0x1fc: {  	v38 =	vld [tilespmem:s0+$0x1DE0]  }
0x1fd: {  	v9 =	vadd.f32 v9, v0;
	[tilespmem:s0+$0x81F0] =	vst.add.f32.msk $0xffff, v8  }
0x1fe: {  	v10 =	vadd.f32 v10, v1;
	v8 =	vld [tilespmem:s0+$0x1C60]  }
0x1ff: {  	v11 =	vadd.f32 v11, v2;
	[tilespmem:s0+$0x8000] =	vst.add.f32.msk $0xffff, v9  }
0x200: {  	v9 =	vadd.f32 v12, v3;
	[tilespmem:s0+$0x8010] =	vst.add.f32.msk $0xffff, v10  }
0x201: {  	v10 =	vadd.f32 v13, v4;
	[tilespmem:s0+$0x8020] =	vst.add.f32.msk $0xffff, v11  }
0x202: {  	v11 =	vadd.f32 v14, v5;
	[tilespmem:s0+$0x8030] =	vst.add.f32.msk $0xffff, v9  }
0x203: {  	[tilespmem:s0+$0x8040] =	vst.add.f32.msk $0xffff, v10;
	v9 =	vadd.f32 v15, v7  }
0x204: {  	[tilespmem:s0+$0x8050] =	vst.add.f32.msk $0xffff, v11;
	v10 =	vadd.f32 v16, v0  }
0x205: {  	[tilespmem:s0+$0x8070] =	vst.add.f32.msk $0xffff, v9;
	v9 =	vadd.f32 v18, v2  }
0x206: {  	[tilespmem:s0+$0x8080] =	vst.add.f32.msk $0xffff, v10;
	v10 =	vadd.f32 v19, v3  }
0x207: {  	v8 =	vadd.f32 v8, v6;
	[tilespmem:s0+$0x80A0] =	vst.add.f32.msk $0xffff, v9  }
0x208: {  	v9 =	vadd.f32 v21, v5;
	[tilespmem:s0+$0x80B0] =	vst.add.f32.msk $0xffff, v10  }
0x209: {  	v10 =	vadd.f32 v22, v6;
	[tilespmem:s0+$0x8060] =	vst.add.f32.msk $0xffff, v8  }
0x20a: {  	v8 =	vadd.f32 v17, v1;
	[tilespmem:s0+$0x80D0] =	vst.add.f32.msk $0xffff, v9  }
0x20b: {  	v9 =	vadd.f32 v24, v0;
	[tilespmem:s0+$0x80E0] =	vst.add.f32.msk $0xffff, v10  }
0x20c: {  	v10 =	vadd.f32 v25, v1;
	[tilespmem:s0+$0x8090] =	vst.add.f32.msk $0xffff, v8  }
0x20d: {  	v8 =	vadd.f32 v20, v4;
	[tilespmem:s0+$0x8100] =	vst.add.f32.msk $0xffff, v9  }
0x20e: {  	v9 =	vadd.f32 v27, v3;
	[tilespmem:s0+$0x8110] =	vst.add.f32.msk $0xffff, v10  }
0x20f: {  	v10 =	vadd.f32 v28, v4;
	[tilespmem:s0+$0x80C0] =	vst.add.f32.msk $0xffff, v8  }
0x210: {  	v8 =	vadd.f32 v23, v7;
	[tilespmem:s0+$0x8130] =	vst.add.f32.msk $0xffff, v9  }
0x211: {  	v9 =	vadd.f32 v30, v6;
	[tilespmem:s0+$0x8140] =	vst.add.f32.msk $0xffff, v10  }
0x212: {  	v10 =	vadd.f32 v31, v7;
	[tilespmem:s0+$0x80F0] =	vst.add.f32.msk $0xffff, v8  }
0x213: {  	v8 =	vadd.f32 v26, v2;
	[tilespmem:s0+$0x8160] =	vst.add.f32.msk $0xffff, v9  }
0x214: {  	v9 =	vadd.f32 v33, v1;
	[tilespmem:s0+$0x8170] =	vst.add.f32.msk $0xffff, v10  }
0x215: {  	[tilespmem:s0+$0x8120] =	vst.add.f32.msk $0xffff, v8;
	v8 =	vadd.f32 v29, v5  }
0x216: {  	v10 =	vadd.f32 v34, v2;
	[tilespmem:s0+$0x8190] =	vst.add.f32.msk $0xffff, v9  }
0x217: {  	[tilespmem:s0+$0x8150] =	vst.add.f32.msk $0xffff, v8;
	v8 =	vadd.f32 v32, v0  }
0x218: {  	v9 =	vadd.f32 v36, v4;
	[tilespmem:s0+$0x81A0] =	vst.add.f32.msk $0xffff, v10  }
0x219: {  	[tilespmem:s0+$0x8180] =	vst.add.f32.msk $0xffff, v8;
	v8 =	vadd.f32 v35, v3  }
0x21a: {  	v10 =	vadd.f32 v37, v5;
	[tilespmem:s0+$0x81C0] =	vst.add.f32.msk $0xffff, v9  }
0x21b: {  	[tilespmem:s0+$0x81B0] =	vst.add.f32.msk $0xffff, v8;
	v8 =	vadd.f32 v38, v6  }
0x21c: {  	s2 =	simm.s32 $0x0;
	s3 =	simm.s32 $0x800;
	[tilespmem:s0+$0x81D0] =	vst.add.f32.msk $0xffff, v10  }
.LBB2_10:
0x21d: {  	s2 =	sadd.s32 $0x4, s2;
	[tilespmem:s0+$0x81E0] =	vst.add.f32.msk $0xffff, v8;
	s0 =	sshra.s32 s3, $0x2  }
0x21e: {  	v8 =	vld [tilespmem:s0+$0x1DF0];
	p0 =	slt.u32 s2, $0xC4  }
0x21f: {  	v9 =	vld [tilespmem:s0+$0x1C00]  }
0x220: {  	v10 =	vld [tilespmem:s0+$0x1C10]  }
0x221: {  	v11 =	vld [tilespmem:s0+$0x1C20]  }
0x222: {  	v12 =	vld [tilespmem:s0+$0x1C30]  }
0x223: {  	v13 =	vld [tilespmem:s0+$0x1C40];
	v8 =	vadd.f32 v8, v7  }
0x224: {  	v9 =	vadd.f32 v9, v0;
	v14 =	vld [tilespmem:s0+$0x1C50]  }
0x225: {  	v10 =	vadd.f32 v10, v1;
	[tilespmem:s0+$0x81F0] =	vst.add.f32.msk $0xffff, v8  }
0x226: {  	v8 =	vadd.f32 v11, v2;
	v11 =	vld [tilespmem:s0+$0x1C60]  }
0x227: {  	v12 =	vadd.f32 v12, v3;
	v15 =	vld [tilespmem:s0+$0x1C70]  }
0x228: {  	v13 =	vadd.f32 v13, v4;
	v16 =	vld [tilespmem:s0+$0x1C80]  }
0x229: {  	v14 =	vadd.f32 v14, v5;
	v17 =	vld [tilespmem:s0+$0x1C90]  }
0x22a: {  	v18 =	vld [tilespmem:s0+$0x1CA0]  }
0x22b: {  	v11 =	vadd.f32 v11, v6;
	v19 =	vld [tilespmem:s0+$0x1CB0]  }
0x22c: {  	v15 =	vadd.f32 v15, v7;
	v20 =	vld [tilespmem:s0+$0x1CC0]  }
0x22d: {  	v16 =	vadd.f32 v16, v0;
	v21 =	vld [tilespmem:s0+$0x1CD0]  }
0x22e: {  	v17 =	vadd.f32 v17, v1;
	v22 =	vld [tilespmem:s0+$0x1CE0]  }
0x22f: {  	v18 =	vadd.f32 v18, v2;
	v23 =	vld [tilespmem:s0+$0x1CF0]  }
0x230: {  	v19 =	vadd.f32 v19, v3;
	v24 =	vld [tilespmem:s0+$0x1D00]  }
0x231: {  	v20 =	vadd.f32 v20, v4;
	v25 =	vld [tilespmem:s0+$0x1D10]  }
0x232: {  	v21 =	vadd.f32 v21, v5;
	v26 =	vld [tilespmem:s0+$0x1D20]  }
0x233: {  	v22 =	vadd.f32 v22, v6;
	v27 =	vld [tilespmem:s0+$0x1D30]  }
0x234: {  	v23 =	vadd.f32 v23, v7;
	v28 =	vld [tilespmem:s0+$0x1D40]  }
0x235: {  	v24 =	vadd.f32 v24, v0;
	v29 =	vld [tilespmem:s0+$0x1D50]  }
0x236: {  	v25 =	vadd.f32 v25, v1;
	v30 =	vld [tilespmem:s0+$0x1D60]  }
0x237: {  	v26 =	vadd.f32 v26, v2;
	v31 =	vld [tilespmem:s0+$0x1D70]  }
0x238: {  	v27 =	vadd.f32 v27, v3;
	v32 =	vld [tilespmem:s0+$0x1D80]  }
0x239: {  	v28 =	vadd.f32 v28, v4;
	v33 =	vld [tilespmem:s0+$0x1D90]  }
0x23a: {  	v29 =	vadd.f32 v29, v5;
	v34 =	vld [tilespmem:s0+$0x1DA0]  }
0x23b: {  	v30 =	vadd.f32 v30, v6;
	v35 =	vld [tilespmem:s0+$0x1DB0]  }
0x23c: {  	v31 =	vadd.f32 v31, v7;
	v36 =	vld [tilespmem:s0+$0x1DC0]  }
0x23d: {  	v32 =	vadd.f32 v32, v0;
	v37 =	vld [tilespmem:s0+$0x1DD0]  }
0x23e: {  	v33 =	vadd.f32 v33, v1;
	v38 =	vld [tilespmem:s0+$0x1DE0]  }
0x23f: {  	[tilespmem:s0+$0x8000] =	vst.add.f32.msk $0xffff, v9;
	v9 =	vadd.f32 v34, v2  }
0x240: {  	[tilespmem:s0+$0x8010] =	vst.add.f32.msk $0xffff, v10;
	v10 =	vadd.f32 v35, v3  }
0x241: {  	[tilespmem:s0+$0x8020] =	vst.add.f32.msk $0xffff, v8;
	v34 =	vadd.f32 v36, v4  }
0x242: {  	[tilespmem:s0+$0x8030] =	vst.add.f32.msk $0xffff, v12;
	v12 =	vadd.f32 v37, v5  }
0x243: {  	[tilespmem:s0+$0x8040] =	vst.add.f32.msk $0xffff, v13;
	v8 =	vadd.f32 v38, v6  }
0x244: {  	[tilespmem:s0+$0x8050] =	vst.add.f32.msk $0xffff, v14  }
0x245: {  	[tilespmem:s0+$0x8060] =	vst.add.f32.msk $0xffff, v11  }
0x246: {  	[tilespmem:s0+$0x8070] =	vst.add.f32.msk $0xffff, v15  }
0x247: {  	[tilespmem:s0+$0x8080] =	vst.add.f32.msk $0xffff, v16  }
0x248: {  	[tilespmem:s0+$0x8090] =	vst.add.f32.msk $0xffff, v17  }
0x249: {  	[tilespmem:s0+$0x80A0] =	vst.add.f32.msk $0xffff, v18  }
0x24a: {  	[tilespmem:s0+$0x80B0] =	vst.add.f32.msk $0xffff, v19  }
0x24b: {  	[tilespmem:s0+$0x80C0] =	vst.add.f32.msk $0xffff, v20  }
0x24c: {  	[tilespmem:s0+$0x80D0] =	vst.add.f32.msk $0xffff, v21  }
0x24d: {  	[tilespmem:s0+$0x80E0] =	vst.add.f32.msk $0xffff, v22  }
0x24e: {  	[tilespmem:s0+$0x80F0] =	vst.add.f32.msk $0xffff, v23  }
0x24f: {  	[tilespmem:s0+$0x8100] =	vst.add.f32.msk $0xffff, v24  }
0x250: {  	[tilespmem:s0+$0x8110] =	vst.add.f32.msk $0xffff, v25  }
0x251: {  	[tilespmem:s0+$0x8120] =	vst.add.f32.msk $0xffff, v26  }
0x252: {  	[tilespmem:s0+$0x8130] =	vst.add.f32.msk $0xffff, v27  }
0x253: {  	[tilespmem:s0+$0x8140] =	vst.add.f32.msk $0xffff, v28  }
0x254: {  	[tilespmem:s0+$0x8150] =	vst.add.f32.msk $0xffff, v29  }
0x255: {  	[tilespmem:s0+$0x8160] =	vst.add.f32.msk $0xffff, v30  }
0x256: {  	[tilespmem:s0+$0x8170] =	vst.add.f32.msk $0xffff, v31  }
0x257: {  	[tilespmem:s0+$0x8180] =	vst.add.f32.msk $0xffff, v32  }
.Ltmp4:
0x258: {  	[tilespmem:s0+$0x8190] =	vst.add.f32.msk $0xffff, v33;
	(pc) =	sbr.rel @p0 .LBB2_10-.Ltmp4, $4  }
0x259: {  	[tilespmem:s0+$0x81A0] =	vst.add.f32.msk $0xffff, v9  }
0x25a: {  	[tilespmem:s0+$0x81B0] =	vst.add.f32.msk $0xffff, v10  }
0x25b: {  	[tilespmem:s0+$0x81C0] =	vst.add.f32.msk $0xffff, v34  }
0x25c: {  	s3 =	sadd.s32 $0x800, s3;
	[tilespmem:s0+$0x81D0] =	vst.add.f32.msk $0xffff, v12  }
0x25d: {  	[tilespmem:s0+$0x81E0] =	vst.add.f32.msk $0xffff, v8;
	s31 =	simm.s32 $0x0  }
0x25e: {  	[hbm4b:s12+s31] =	stream.linear.scatter [tilespmem:s17], [sflag:$0x4], $0x6400, $0x38;
	[tilespmem:$0x1AC00] =	vst v63  }
0x25f: {  	_ =	swait.ge [sflag:s21], $0x6400  }
0x260: {  	[sflag:s21] =	ssyncset.done $0x0  }
0x261: {  	[sflag:s21] =	ssyncadd.s32 $0xFFFF9C00  }
0x262: {  	v0 =	vld [tilespmem:$0x1880]  }
0x263: {  	v1 =	vld [tilespmem:$0x1890]  }
0x264: {  	v2 =	vld [tilespmem:$0x18A0]  }
0x265: {  	v3 =	vld [tilespmem:$0x18B0]  }
0x266: {  	v4 =	vld [tilespmem:$0x18C0]  }
0x267: {  	v5 =	vld [tilespmem:$0x18D0]  }
0x268: {  	v6 =	vld [tilespmem:$0x18E0]  }
0x269: {  	s0 =	simm.s32 $0x0;
	v7 =	vld [tilespmem:$0x18F0]  }
0x26a: {  	v8 =	vld [tilespmem:s0+$0x1DF0]  }
0x26b: {  	v9 =	vld [tilespmem:s0+$0x1C00]  }
0x26c: {  	v10 =	vld [tilespmem:s0+$0x1C10]  }
0x26d: {  	v11 =	vld [tilespmem:s0+$0x1C20]  }
0x26e: {  	v12 =	vld [tilespmem:s0+$0x1C30]  }
0x26f: {  	v13 =	vld [tilespmem:s0+$0x1C40]  }
0x270: {  	v14 =	vld [tilespmem:s0+$0x1C50]  }
0x271: {  	v15 =	vld [tilespmem:s0+$0x1C70]  }
0x272: {  	v16 =	vld [tilespmem:s0+$0x1C80]  }
0x273: {  	v17 =	vld [tilespmem:s0+$0x1C90]  }
0x274: {  	v18 =	vld [tilespmem:s0+$0x1CA0]  }
0x275: {  	v19 =	vld [tilespmem:s0+$0x1CB0]  }
0x276: {  	v20 =	vld [tilespmem:s0+$0x1CC0]  }
0x277: {  	v21 =	vld [tilespmem:s0+$0x1CD0]  }
0x278: {  	v22 =	vld [tilespmem:s0+$0x1CE0]  }
0x279: {  	v23 =	vld [tilespmem:s0+$0x1CF0]  }
0x27a: {  	v24 =	vld [tilespmem:s0+$0x1D00]  }
0x27b: {  	v25 =	vld [tilespmem:s0+$0x1D10]  }
0x27c: {  	v26 =	vld [tilespmem:s0+$0x1D20]  }
0x27d: {  	v27 =	vld [tilespmem:s0+$0x1D30]  }
0x27e: {  	v28 =	vld [tilespmem:s0+$0x1D40]  }
0x27f: {  	v29 =	vld [tilespmem:s0+$0x1D50]  }
0x280: {  	v30 =	vld [tilespmem:s0+$0x1D60]  }
0x281: {  	v31 =	vld [tilespmem:s0+$0x1D70]  }
0x282: {  	v32 =	vld [tilespmem:s0+$0x1D80]  }
0x283: {  	v33 =	vld [tilespmem:s0+$0x1D90]  }
0x284: {  	v34 =	vld [tilespmem:s0+$0x1DA0]  }
0x285: {  	v35 =	vld [tilespmem:s0+$0x1DB0]  }
0x286: {  	v36 =	vld [tilespmem:s0+$0x1DC0]  }
0x287: {  	v37 =	vld [tilespmem:s0+$0x1DD0];
	v8 =	vadd.f32 v8, v7  }
0x288: {  	v38 =	vld [tilespmem:s0+$0x1DE0]  }
0x289: {  	v9 =	vadd.f32 v9, v0;
	[tilespmem:s0+$0xE5F0] =	vst.add.f32.msk $0xffff, v8  }
0x28a: {  	v10 =	vadd.f32 v10, v1;
	v8 =	vld [tilespmem:s0+$0x1C60]  }
0x28b: {  	v11 =	vadd.f32 v11, v2;
	[tilespmem:s0+$0xE400] =	vst.add.f32.msk $0xffff, v9  }
0x28c: {  	v9 =	vadd.f32 v12, v3;
	[tilespmem:s0+$0xE410] =	vst.add.f32.msk $0xffff, v10  }
0x28d: {  	v10 =	vadd.f32 v13, v4;
	[tilespmem:s0+$0xE420] =	vst.add.f32.msk $0xffff, v11  }
0x28e: {  	v11 =	vadd.f32 v14, v5;
	[tilespmem:s0+$0xE430] =	vst.add.f32.msk $0xffff, v9  }
0x28f: {  	[tilespmem:s0+$0xE440] =	vst.add.f32.msk $0xffff, v10;
	v9 =	vadd.f32 v15, v7  }
0x290: {  	[tilespmem:s0+$0xE450] =	vst.add.f32.msk $0xffff, v11;
	v10 =	vadd.f32 v16, v0  }
0x291: {  	[tilespmem:s0+$0xE470] =	vst.add.f32.msk $0xffff, v9;
	v9 =	vadd.f32 v18, v2  }
0x292: {  	[tilespmem:s0+$0xE480] =	vst.add.f32.msk $0xffff, v10;
	v10 =	vadd.f32 v19, v3  }
0x293: {  	v8 =	vadd.f32 v8, v6;
	[tilespmem:s0+$0xE4A0] =	vst.add.f32.msk $0xffff, v9  }
0x294: {  	v9 =	vadd.f32 v21, v5;
	[tilespmem:s0+$0xE4B0] =	vst.add.f32.msk $0xffff, v10  }
0x295: {  	v10 =	vadd.f32 v22, v6;
	[tilespmem:s0+$0xE460] =	vst.add.f32.msk $0xffff, v8  }
0x296: {  	v8 =	vadd.f32 v17, v1;
	[tilespmem:s0+$0xE4D0] =	vst.add.f32.msk $0xffff, v9  }
0x297: {  	v9 =	vadd.f32 v24, v0;
	[tilespmem:s0+$0xE4E0] =	vst.add.f32.msk $0xffff, v10  }
0x298: {  	v10 =	vadd.f32 v25, v1;
	[tilespmem:s0+$0xE490] =	vst.add.f32.msk $0xffff, v8  }
0x299: {  	v8 =	vadd.f32 v20, v4;
	[tilespmem:s0+$0xE500] =	vst.add.f32.msk $0xffff, v9  }
0x29a: {  	v9 =	vadd.f32 v27, v3;
	[tilespmem:s0+$0xE510] =	vst.add.f32.msk $0xffff, v10  }
0x29b: {  	v10 =	vadd.f32 v28, v4;
	[tilespmem:s0+$0xE4C0] =	vst.add.f32.msk $0xffff, v8  }
0x29c: {  	v8 =	vadd.f32 v23, v7;
	[tilespmem:s0+$0xE530] =	vst.add.f32.msk $0xffff, v9  }
0x29d: {  	v9 =	vadd.f32 v30, v6;
	[tilespmem:s0+$0xE540] =	vst.add.f32.msk $0xffff, v10  }
0x29e: {  	v10 =	vadd.f32 v31, v7;
	[tilespmem:s0+$0xE4F0] =	vst.add.f32.msk $0xffff, v8  }
0x29f: {  	v8 =	vadd.f32 v26, v2;
	[tilespmem:s0+$0xE560] =	vst.add.f32.msk $0xffff, v9  }
0x2a0: {  	v9 =	vadd.f32 v33, v1;
	[tilespmem:s0+$0xE570] =	vst.add.f32.msk $0xffff, v10  }
0x2a1: {  	[tilespmem:s0+$0xE520] =	vst.add.f32.msk $0xffff, v8;
	v8 =	vadd.f32 v29, v5  }
0x2a2: {  	v10 =	vadd.f32 v34, v2;
	[tilespmem:s0+$0xE590] =	vst.add.f32.msk $0xffff, v9  }
0x2a3: {  	[tilespmem:s0+$0xE550] =	vst.add.f32.msk $0xffff, v8;
	v8 =	vadd.f32 v32, v0  }
0x2a4: {  	v9 =	vadd.f32 v36, v4;
	[tilespmem:s0+$0xE5A0] =	vst.add.f32.msk $0xffff, v10  }
0x2a5: {  	[tilespmem:s0+$0xE580] =	vst.add.f32.msk $0xffff, v8;
	v8 =	vadd.f32 v35, v3  }
0x2a6: {  	v10 =	vadd.f32 v37, v5;
	[tilespmem:s0+$0xE5C0] =	vst.add.f32.msk $0xffff, v9  }
0x2a7: {  	[tilespmem:s0+$0xE5B0] =	vst.add.f32.msk $0xffff, v8;
	v8 =	vadd.f32 v38, v6  }
0x2a8: {  	s2 =	simm.s32 $0x0;
	s3 =	simm.s32 $0x800;
	[tilespmem:s0+$0xE5D0] =	vst.add.f32.msk $0xffff, v10  }
.LBB2_12:
0x2a9: {  	s2 =	sadd.s32 $0x4, s2;
	[tilespmem:s0+$0xE5E0] =	vst.add.f32.msk $0xffff, v8;
	s0 =	sshra.s32 s3, $0x2  }
0x2aa: {  	v8 =	vld [tilespmem:s0+$0x1DF0];
	p0 =	slt.u32 s2, $0xC4  }
0x2ab: {  	v9 =	vld [tilespmem:s0+$0x1C00]  }
0x2ac: {  	v10 =	vld [tilespmem:s0+$0x1C10]  }
0x2ad: {  	v11 =	vld [tilespmem:s0+$0x1C20]  }
0x2ae: {  	v12 =	vld [tilespmem:s0+$0x1C30]  }
0x2af: {  	v13 =	vld [tilespmem:s0+$0x1C40];
	v8 =	vadd.f32 v8, v7  }
0x2b0: {  	v9 =	vadd.f32 v9, v0;
	v14 =	vld [tilespmem:s0+$0x1C50]  }
0x2b1: {  	v10 =	vadd.f32 v10, v1;
	[tilespmem:s0+$0xE5F0] =	vst.add.f32.msk $0xffff, v8  }
0x2b2: {  	v8 =	vadd.f32 v11, v2;
	v11 =	vld [tilespmem:s0+$0x1C60]  }
0x2b3: {  	v12 =	vadd.f32 v12, v3;
	v15 =	vld [tilespmem:s0+$0x1C70]  }
0x2b4: {  	v13 =	vadd.f32 v13, v4;
	v16 =	vld [tilespmem:s0+$0x1C80]  }
0x2b5: {  	v14 =	vadd.f32 v14, v5;
	v17 =	vld [tilespmem:s0+$0x1C90]  }
0x2b6: {  	v18 =	vld [tilespmem:s0+$0x1CA0]  }
0x2b7: {  	v11 =	vadd.f32 v11, v6;
	v19 =	vld [tilespmem:s0+$0x1CB0]  }
0x2b8: {  	v15 =	vadd.f32 v15, v7;
	v20 =	vld [tilespmem:s0+$0x1CC0]  }
0x2b9: {  	v16 =	vadd.f32 v16, v0;
	v21 =	vld [tilespmem:s0+$0x1CD0]  }
0x2ba: {  	v17 =	vadd.f32 v17, v1;
	v22 =	vld [tilespmem:s0+$0x1CE0]  }
0x2bb: {  	v18 =	vadd.f32 v18, v2;
	v23 =	vld [tilespmem:s0+$0x1CF0]  }
0x2bc: {  	v19 =	vadd.f32 v19, v3;
	v24 =	vld [tilespmem:s0+$0x1D00]  }
0x2bd: {  	v20 =	vadd.f32 v20, v4;
	v25 =	vld [tilespmem:s0+$0x1D10]  }
0x2be: {  	v21 =	vadd.f32 v21, v5;
	v26 =	vld [tilespmem:s0+$0x1D20]  }
0x2bf: {  	v22 =	vadd.f32 v22, v6;
	v27 =	vld [tilespmem:s0+$0x1D30]  }
0x2c0: {  	v23 =	vadd.f32 v23, v7;
	v28 =	vld [tilespmem:s0+$0x1D40]  }
0x2c1: {  	v24 =	vadd.f32 v24, v0;
	v29 =	vld [tilespmem:s0+$0x1D50]  }
0x2c2: {  	v25 =	vadd.f32 v25, v1;
	v30 =	vld [tilespmem:s0+$0x1D60]  }
0x2c3: {  	v26 =	vadd.f32 v26, v2;
	v31 =	vld [tilespmem:s0+$0x1D70]  }
0x2c4: {  	v27 =	vadd.f32 v27, v3;
	v32 =	vld [tilespmem:s0+$0x1D80]  }
0x2c5: {  	v28 =	vadd.f32 v28, v4;
	v33 =	vld [tilespmem:s0+$0x1D90]  }
0x2c6: {  	v29 =	vadd.f32 v29, v5;
	v34 =	vld [tilespmem:s0+$0x1DA0]  }
0x2c7: {  	v30 =	vadd.f32 v30, v6;
	v35 =	vld [tilespmem:s0+$0x1DB0]  }
0x2c8: {  	v31 =	vadd.f32 v31, v7;
	v36 =	vld [tilespmem:s0+$0x1DC0]  }
0x2c9: {  	v32 =	vadd.f32 v32, v0;
	v37 =	vld [tilespmem:s0+$0x1DD0]  }
0x2ca: {  	v33 =	vadd.f32 v33, v1;
	v38 =	vld [tilespmem:s0+$0x1DE0]  }
0x2cb: {  	[tilespmem:s0+$0xE400] =	vst.add.f32.msk $0xffff, v9;
	v9 =	vadd.f32 v34, v2  }
0x2cc: {  	[tilespmem:s0+$0xE410] =	vst.add.f32.msk $0xffff, v10;
	v10 =	vadd.f32 v35, v3  }
0x2cd: {  	[tilespmem:s0+$0xE420] =	vst.add.f32.msk $0xffff, v8;
	v34 =	vadd.f32 v36, v4  }
0x2ce: {  	[tilespmem:s0+$0xE430] =	vst.add.f32.msk $0xffff, v12;
	v12 =	vadd.f32 v37, v5  }
0x2cf: {  	[tilespmem:s0+$0xE440] =	vst.add.f32.msk $0xffff, v13;
	v8 =	vadd.f32 v38, v6  }
0x2d0: {  	[tilespmem:s0+$0xE450] =	vst.add.f32.msk $0xffff, v14  }
0x2d1: {  	[tilespmem:s0+$0xE460] =	vst.add.f32.msk $0xffff, v11  }
0x2d2: {  	[tilespmem:s0+$0xE470] =	vst.add.f32.msk $0xffff, v15  }
0x2d3: {  	[tilespmem:s0+$0xE480] =	vst.add.f32.msk $0xffff, v16  }
0x2d4: {  	[tilespmem:s0+$0xE490] =	vst.add.f32.msk $0xffff, v17  }
0x2d5: {  	[tilespmem:s0+$0xE4A0] =	vst.add.f32.msk $0xffff, v18  }
0x2d6: {  	[tilespmem:s0+$0xE4B0] =	vst.add.f32.msk $0xffff, v19  }
0x2d7: {  	[tilespmem:s0+$0xE4C0] =	vst.add.f32.msk $0xffff, v20  }
0x2d8: {  	[tilespmem:s0+$0xE4D0] =	vst.add.f32.msk $0xffff, v21  }
0x2d9: {  	[tilespmem:s0+$0xE4E0] =	vst.add.f32.msk $0xffff, v22  }
0x2da: {  	[tilespmem:s0+$0xE4F0] =	vst.add.f32.msk $0xffff, v23  }
0x2db: {  	[tilespmem:s0+$0xE500] =	vst.add.f32.msk $0xffff, v24  }
0x2dc: {  	[tilespmem:s0+$0xE510] =	vst.add.f32.msk $0xffff, v25  }
0x2dd: {  	[tilespmem:s0+$0xE520] =	vst.add.f32.msk $0xffff, v26  }
0x2de: {  	[tilespmem:s0+$0xE530] =	vst.add.f32.msk $0xffff, v27  }
0x2df: {  	[tilespmem:s0+$0xE540] =	vst.add.f32.msk $0xffff, v28  }
0x2e0: {  	[tilespmem:s0+$0xE550] =	vst.add.f32.msk $0xffff, v29  }
0x2e1: {  	[tilespmem:s0+$0xE560] =	vst.add.f32.msk $0xffff, v30  }
0x2e2: {  	[tilespmem:s0+$0xE570] =	vst.add.f32.msk $0xffff, v31  }
0x2e3: {  	[tilespmem:s0+$0xE580] =	vst.add.f32.msk $0xffff, v32  }
.Ltmp5:
0x2e4: {  	[tilespmem:s0+$0xE590] =	vst.add.f32.msk $0xffff, v33;
	(pc) =	sbr.rel @p0 .LBB2_12-.Ltmp5, $4  }
0x2e5: {  	[tilespmem:s0+$0xE5A0] =	vst.add.f32.msk $0xffff, v9  }
0x2e6: {  	[tilespmem:s0+$0xE5B0] =	vst.add.f32.msk $0xffff, v10  }
0x2e7: {  	[tilespmem:s0+$0xE5C0] =	vst.add.f32.msk $0xffff, v34  }
0x2e8: {  	s3 =	sadd.s32 $0x800, s3;
	[tilespmem:s0+$0xE5D0] =	vst.add.f32.msk $0xffff, v12  }
0x2e9: {  	[tilespmem:s0+$0xE5E0] =	vst.add.f32.msk $0xffff, v8  }
0x2ea: {  	[hbm4b:s13+s5] =	stream.linear.scatter [tilespmem:s18], [sflag:$0x5], $0x6400, $0x38;
	[tilespmem:$0x1AC00] =	vst v63  }
0x2eb: {  	_ =	swait.ge [sflag:s25], $0x6400  }
0x2ec: {  	[sflag:s25] =	ssyncset.done $0x0  }
0x2ed: {  	s26 =	sadd.s32 $0x1, s26;
	[sflag:s25] =	ssyncadd.s32 $0xFFFF9C00  }
0x2ee: {  	p0 =	sne.s32 s26, s14;
	_ =	swait.ge [sflag:s22], $0x6400  }
.Ltmp6:
0x2ef: {  	[sflag:s22] =	ssyncset.done $0x0;
	(pc) =	sbr.rel @p0 .LBB2_1-.Ltmp6, $4  }
0x2f0: {  	[sflag:s22] =	ssyncadd.s32 $0xFFFF9C00  }
0x2f1: {  	_ =	swait.ge [sflag:s24], $0x6400  }
0x2f2: {  	[sflag:s24] =	ssyncset.done $0x0  }
0x2f3: {  	[sflag:s24] =	ssyncadd.s32 $0xFFFF9C00  }
0x2f4: {  	_ =	sfence.sel $0x180000  }
0x2f5: {  	[bflag:$0x0] =	sbarrier.arrive $0xFFFF  }
0x2f6: {  	_ =	strace $0x90000047  }
0x2f7: {  	s0 =	stileid.u32;
	[bflag:$0x2] =	sbarrier.arrive $0xFFFF  }
0x2f8: {  	p0 =	sne.s32 s0, $0x0;
	s0 =	rddreg [dreg:$0x4]  }
0x2f9: {  	s0 =	sadd.s32 @!p0 $0x100000, s0  }
0x2fa: {  	[sflag:s0] =	ssyncadd.tile.s32 @!p0 $0x1;
	_ =	shalt  }
.Lfunc_end2:
_tile_overlayer_lowered:
.L_overlay_start_2:
0x2fb: {  	(tag) =	ssettag $0x2  }
0x2fc: {  	s0 =	rddreg [dreg:$0x0];
	s2 =	stileid.u32  }
0x2fd: {  	s1 =	rddreg [dreg:$0x1];
	p0 =	sne.s32 s2, $0x0  }
0x2fe: {  	s3 =	rddreg [dreg:$0x2];
	[bflag:$0x3] =	sbarrier.arrive $0xFFFF;
	s2 =	simm.s32 @!p0 $0x1C07  }
0x2ff: {  	[timem:s3], [sflag:s2] =	dma.local @!p0 [hbm:s0], s1  }
0x300: {  	s0 =	simm.s32 @!p0 $0x7  }
0x301: {  	_ =	swait.ge @!p0 [sflag:s0], s1  }
0x302: {  	s1 =	ssub.s32 @!p0 $0x0, s1;
	[sflag:s0] =	ssyncset.done @!p0 $0x0  }
0x303: {  	[sflag:s0] =	ssyncadd.s32 @!p0 s1  }
0x304: {  	[bflag:$0x3] =	sbarrier.arrive $0xFFFF  }
0x305: {  	_ =	shalt  }

</sc_bundles>
